<compile_context>
chip_gen: v7x
topology: tpu7x:2x2x1
jax: 0.10.2.dev20260603
libtpu: 0.0.44.dev20260713+nightly
codegen_flags: <defaults>
</compile_context>

<pallas_src>
import functools

import jax
import jax.numpy as jnp
from jax import lax
from jax.experimental import pallas as pl
from jax.experimental.pallas import tpu as pltpu
from jax.experimental.pallas import tpu_sc as plsc

F = 26
D = 26
DG = 128
DP = 32
N = 16384
V = 1000000
NC = 2
NS = 16
NW = NC * NS
ROWS_PER_W = N // NW
IDX_PER_W = ROWS_PER_W * F
CHUNK = 16
NCHUNK = ROWS_PER_W // CHUNK
IDX_PER_CHUNK = CHUNK * F
SEGS = (128, 128, 128, 32)
PREP_BLK = 8192
G = 524288
GSH = 19
NG = 2

_GATHER_DNUMS = lax.GatherDimensionNumbers(
    offset_dims=(), collapsed_slice_dims=(0,), start_index_map=(0,))


def _bcast_lane(vec, lane):
    idx = jnp.full((16, 1), lane, jnp.int32)
    return lax.gather(vec, idx, _GATHER_DNUMS, slice_sizes=(1,),
                      mode=lax.GatherScatterMode.PROMISE_IN_BOUNDS)


def _prep_kernel(t0_ref, t1_ref, out_ref):
    j = pl.program_id(0)
    for g, tg in enumerate((t0_ref, t1_ref)):
        x = tg[...]
        if g == NG - 1:
            lane = jax.lax.broadcasted_iota(jnp.int32, (D, PREP_BLK), 1)
            limit = V - (NG - 1) * G - j * PREP_BLK
            x = jnp.where(lane < limit, x, 0.0)
        out_ref[:, pl.ds(64 * g, D)] = x.T


def _fm_kernel(emb_hbm, w1_hbm, idx_hbm, val_hbm, bias_hbm, out_hbm,
               idx_w, j_w, val_w, rows_v, w1_v, out_v, bias_v,
               sem_e, sem_w):
    wid = lax.axis_index("s") * NC + lax.axis_index("c")
    wbase = wid * IDX_PER_W

    pltpu.sync_copy(bias_hbm, bias_v)
    bias_vec = bias_v[...]
    pltpu.sync_copy(idx_hbm.at[pl.ds(wbase, IDX_PER_W)],
                    idx_w.at[pl.ds(0, IDX_PER_W)])
    pltpu.sync_copy(val_hbm.at[pl.ds(wbase, IDX_PER_W)],
                    val_w.at[pl.ds(0, IDX_PER_W)])

    def jmask_body(i, carry):
        p = i * 16
        j_w[pl.ds(p, 16)] = (
            idx_w[pl.ds(p, 16)] & jnp.full((16,), G - 1, jnp.int32))
        return carry

    lax.fori_loop(0, IDX_PER_W // 16, jmask_body, 0)

    def chunk_body(c, carry):
        cbase = c * IDX_PER_CHUNK
        obase = wid * ROWS_PER_W + c * CHUNK

        copies = []
        off = 0
        for seg in SEGS:
            jsl = j_w.at[pl.ds(cbase + off, seg)]
            isl = idx_w.at[pl.ds(cbase + off, seg)]
            copies.append((jsl, isl, off, seg))
            off += seg
        for jsl, isl, off, seg in copies:
            pltpu.async_copy(emb_hbm.at[jsl],
                             rows_v.at[pl.ds(off, seg), :], sem_e)
            pltpu.async_copy(w1_hbm.at[isl],
                             w1_v.at[pl.ds(off, seg)], sem_w)
        for jsl, isl, off, seg in copies:
            pltpu.make_async_copy(emb_hbm.at[jsl],
                                  rows_v.at[pl.ds(off, seg), :],
                                  sem_e).wait()
            pltpu.make_async_copy(w1_hbm.at[isl],
                                  w1_v.at[pl.ds(off, seg)],
                                  sem_w).wait()

        def row_body(r, carry2):
            base = r * F
            gbase = cbase + base
            zero = jnp.zeros((16,), jnp.float32)
            s0 = zero
            s1 = zero
            q0 = zero
            q1 = zero
            v_lo = val_w[pl.ds(gbase, 16)]
            v_hi = val_w[pl.ds(gbase + 16, 16)]
            i_lo = idx_w[pl.ds(gbase, 16)]
            i_hi = idx_w[pl.ds(gbase + 16, 16)]
            for f in range(F):
                lane = f if f < 16 else f - 16
                vb = _bcast_lane(v_lo if f < 16 else v_hi, lane)
                gb = _bcast_lane(i_lo if f < 16 else i_hi, lane)
                gsel = lax.shift_right_logical(gb, jnp.full((16,), GSH,
                                                            jnp.int32))
                c0 = rows_v[base + f, pl.ds(0, 16)]
                c1 = rows_v[base + f, pl.ds(64, 16)]
                d0 = rows_v[base + f, pl.ds(16, 16)]
                d1 = rows_v[base + f, pl.ds(80, 16)]
                b0 = gsel.astype(jnp.float32)
                e0 = c0 + (c1 - c0) * b0
                e1 = d0 + (d1 - d0) * b0
                t0 = e0 * vb
                t1 = e1 * vb
                s0 = s0 + t0
                s1 = s1 + t1
                q0 = q0 + t0 * t0
                q1 = q1 + t1 * t1
            yf0 = w1_v[pl.ds(base, 16)] * v_lo
            yf1 = w1_v[pl.ds(base + 16, 16)] * v_hi
            res0 = yf0 + 0.5 * (s0 * s0 - q0) + bias_vec
            res1 = yf1 + 0.5 * (s1 * s1 - q1) + bias_vec
            out_v[r, pl.ds(0, 16)] = res0
            out_v[r, pl.ds(16, 16)] = res1
            return carry2

        lax.fori_loop(0, CHUNK, row_body, 0)

        pltpu.sync_copy(out_v, out_hbm.at[pl.ds(obase, CHUNK), :])
        return carry

    lax.fori_loop(0, NCHUNK, chunk_body, 0)


@jax.jit
def _fm(feature_index, feature_value, feature_embedding,
        FM_first_order_weights, bias):
    tableT = feature_embedding.T
    gblk = G // PREP_BLK
    last_blk = V // PREP_BLK
    emb128 = pl.pallas_call(
        _prep_kernel,
        grid=(G // PREP_BLK,),
        in_specs=[
            pl.BlockSpec(
                (D, PREP_BLK),
                functools.partial(
                    lambda j, g: (0, jnp.minimum(g * gblk + j, last_blk)),
                    g=g))
            for g in range(NG)
        ],
        out_specs=pl.BlockSpec((PREP_BLK, DG), lambda j: (j, 0)),
        out_shape=jax.ShapeDtypeStruct((G, DG), jnp.float32),
    )(tableT, tableT)

    w1_flat = FM_first_order_weights.reshape(-1)
    bias16 = jnp.broadcast_to(bias, (16,))
    idx_flat = feature_index.reshape(-1)
    val_flat = feature_value.reshape(-1)
    mesh = plsc.VectorSubcoreMesh(
        core_axis_name="c", subcore_axis_name="s",
        num_cores=NC, num_subcores=NS)
    run = pl.kernel(
        _fm_kernel,
        out_type=jax.ShapeDtypeStruct((N, DP), jnp.float32),
        mesh=mesh,
        scratch_types=[
            pltpu.VMEM((IDX_PER_W + 16,), jnp.int32),
            pltpu.VMEM((IDX_PER_W,), jnp.int32),
            pltpu.VMEM((IDX_PER_W + 16,), jnp.float32),
            pltpu.VMEM((IDX_PER_CHUNK, DG), jnp.float32),
            pltpu.VMEM((IDX_PER_CHUNK + 16,), jnp.float32),
            pltpu.VMEM((CHUNK, DP), jnp.float32),
            pltpu.VMEM((16,), jnp.float32),
            pltpu.SemaphoreType.DMA,
            pltpu.SemaphoreType.DMA,
        ],
        compiler_params=pltpu.CompilerParams(use_tc_tiling_on_sc=True),
    )
    out32 = run(emb128, w1_flat, idx_flat, val_flat, bias16)
    return out32[:, :D]


def kernel(feature_index, feature_value, label, feature_embedding,
           FM_first_order_weights, bias):
    return _fm(feature_index, feature_value, feature_embedding,
               FM_first_order_weights, bias)

# --- scband reference (transcript-rebuilt; emitter-appended) ---
"""Pipeline reference for scband-fm-21749714387186 (READ-ONLY COPY).

The authoritative reference and input builder live on the scoring server;
editing this copy changes nothing except your own understanding.
"""

import jax, jax.numpy as jnp
import numpy as np

FIELD_NUM = 26
EMBED_DIM = 26
NUM_FEATURES = 1000000
BATCH = 16384


def setup_inputs(seed: int = 0) -> dict:
    key = jax.random.key(seed)
    k1, k2, k3, k4, k5, k6 = jax.random.split(key, 6)
    feature_index = jax.random.randint(k1, (BATCH, FIELD_NUM), 0, NUM_FEATURES, dtype=jnp.int64 if jax.config.jax_enable_x64 else jnp.int32)
    feature_value = jax.random.uniform(k2, (BATCH, FIELD_NUM), dtype=jnp.float32)
    label = jax.random.normal(k3, (BATCH, 1), dtype=jnp.float32)
    feature_embedding = jax.random.normal(k4, (NUM_FEATURES, EMBED_DIM), dtype=jnp.float32) * 0.01
    FM_first_order_weights = jax.random.normal(k5, (NUM_FEATURES, 1), dtype=jnp.float32) * 0.01
    bias = jax.random.uniform(k6, (1,), dtype=jnp.float32)
    return {
        "feature_index": feature_index,
        "feature_value": feature_value,
        "label": label,
        "feature_embedding": feature_embedding,
        "FM_first_order_weights": FM_first_order_weights,
        "bias": bias,
    }


def reference(feature_index, feature_value, label, feature_embedding, FM_first_order_weights, bias):
    # embedding lookups (gathers)
    embeddings = jnp.take(feature_embedding, feature_index, axis=0)  # [N, F, D]
    fv = feature_value.reshape((-1, FIELD_NUM, 1))  # [N, F, 1]
    embeddings = embeddings * fv
    first_order_weights = jnp.take(FM_first_order_weights, feature_index, axis=0)  # [N, F, 1]
    y_first = jnp.sum(first_order_weights * fv, axis=2)  # [N, F]
    summed_feature_emb_square = jnp.sum(embeddings, axis=1) ** 2  # [N, D]
    square_feature_emb_sum = jnp.sum(embeddings ** 2, axis=1)  # [N, D]
    y_second = 0.5 * (summed_feature_emb_square - square_feature_emb_sum)
    # original applies dropout here (self.dropout_fm[-1]); identity in eval mode
    y_output = y_first + y_second + bias  # broadcast requires F == D
    return y_output

if __name__ == "__main__":
    import jax
    _d = setup_inputs()
    print(jax.jit(kernel)(*tuple(_d.values())))

</pallas_src>

<mosaic_0001>
#map = affine_map<(d0, d1) -> (0, 0)>
#map1 = affine_map<(d0, d1) -> (0)>
module attributes {stable_mosaic.version = 14 : i64} {
  func.func @_fm_kernel(%arg0: i32, %arg1: i32, %arg2: memref<524288x128xf32, #tpu.memory_space<hbm>>, %arg3: memref<1000000xf32, #tpu.memory_space<hbm>>, %arg4: memref<425984xi32, #tpu.memory_space<hbm>>, %arg5: memref<425984xf32, #tpu.memory_space<hbm>>, %arg6: memref<16xf32, #tpu.memory_space<hbm>>, %arg7: memref<16384x32xf32, #tpu.memory_space<hbm>>, %arg8: memref<13328xi32, #tpu.memory_space<vmem>>, %arg9: memref<13312xi32, #tpu.memory_space<vmem>>, %arg10: memref<13328xf32, #tpu.memory_space<vmem>>, %arg11: memref<416x128xf32, #tpu.memory_space<vmem>>, %arg12: memref<432xf32, #tpu.memory_space<vmem>>, %arg13: memref<16x32xf32, #tpu.memory_space<vmem>>, %arg14: memref<16xf32, #tpu.memory_space<vmem>>, %arg15: memref<!tpu.dma_semaphore, #tpu.memory_space<semaphore_mem>>, %arg16: memref<!tpu.dma_semaphore, #tpu.memory_space<semaphore_mem>>) attributes {dimension_semantics = [#tpu.dimension_semantics<core_parallel>, #tpu.dimension_semantics<subcore_parallel>], iteration_bounds = array<i64: 2, 16>, scalar_prefetch = 0 : i64, scratch_operands = 9 : i64, tpu.core_type = #tpu.core_type<sc_vector_subcore>, window_params = [{transform_indices = #map}, {transform_indices = #map1}, {transform_indices = #map1}, {transform_indices = #map1}, {transform_indices = #map1}, {transform_indices = #map}]} {
    %mul3A = arith.constant 2 : i32
    %mul3A_0 = arith.muli %arg1, %mul3A : i32
    %add3A = arith.addi %mul3A_0, %arg0 : i32
    %mul3A_1 = arith.constant 13312 : i32
    %mul3A_2 = arith.muli %add3A, %mul3A_1 : i32
    "tpu.region"() ({
      %run_scoped3A = tpu.sem_alloc : memref<!tpu.dma_semaphore, #tpu.memory_space<semaphore_mem>>
      tpu.enqueue_dma source(%arg6 : memref<16xf32, #tpu.memory_space<hbm>>) target(%arg14 : memref<16xf32, #tpu.memory_space<vmem>>) target_semaphore(%run_scoped3A : memref<!tpu.dma_semaphore, #tpu.memory_space<semaphore_mem>>)
      tpu.wait_dma2 semaphore(%run_scoped3A : memref<!tpu.dma_semaphore, #tpu.memory_space<semaphore_mem>>) src(%arg6 : memref<16xf32, #tpu.memory_space<hbm>>) dst(%arg14 : memref<16xf32, #tpu.memory_space<vmem>>)
      tpu.yield
    }) : () -> ()
    %get3A = arith.constant 0 : index
    %get3A_3 = tpu.vector_load %arg14[%get3A] {strides = array<i32>} : memref<16xf32, #tpu.memory_space<vmem>>, vector<16xf32>,
    %get3A_4 = vector.shape_cast %get3A_3 : vector<16xf32> to vector<16xf32>
    "tpu.region"() ({
      %run_scoped3A = tpu.sem_alloc : memref<!tpu.dma_semaphore, #tpu.memory_space<semaphore_mem>>
      %dma_start3A = arith.constant 0 : i32
      %dma_start3A_16 = tpu.memref_slice %arg8[%dma_start3A] : memref<13328xi32, #tpu.memory_space<vmem>> -> memref<13312xi32, #tpu.memory_space<vmem>>
      %dma_start3A_17 = tpu.memref_slice %arg4[%mul3A_2] : memref<425984xi32, #tpu.memory_space<hbm>> -> memref<13312xi32, #tpu.memory_space<hbm>>
      %dma_start3A_18 = arith.constant 0 : i32
      %dma_start3A_19 = tpu.memref_slice %arg8[%dma_start3A_18] : memref<13328xi32, #tpu.memory_space<vmem>> -> memref<13312xi32, #tpu.memory_space<vmem>>
      %dma_start3A_20 = tpu.memref_slice %arg4[%mul3A_2] : memref<425984xi32, #tpu.memory_space<hbm>> -> memref<13312xi32, #tpu.memory_space<hbm>>
      tpu.enqueue_dma source(%dma_start3A_20 : memref<13312xi32, #tpu.memory_space<hbm>>) target(%dma_start3A_19 : memref<13312xi32, #tpu.memory_space<vmem>>) target_semaphore(%run_scoped3A : memref<!tpu.dma_semaphore, #tpu.memory_space<semaphore_mem>>)
      %dma_wait3A = arith.constant 0 : i32
      %dma_wait3A_21 = tpu.memref_slice %arg8[%dma_wait3A] : memref<13328xi32, #tpu.memory_space<vmem>> -> memref<13312xi32, #tpu.memory_space<vmem>>
      %dma_wait3A_22 = tpu.memref_slice %arg4[%mul3A_2] : memref<425984xi32, #tpu.memory_space<hbm>> -> memref<13312xi32, #tpu.memory_space<hbm>>
      %dma_wait3A_23 = arith.constant 0 : i32
      %dma_wait3A_24 = tpu.memref_slice %arg8[%dma_wait3A_23] : memref<13328xi32, #tpu.memory_space<vmem>> -> memref<13312xi32, #tpu.memory_space<vmem>>
      %dma_wait3A_25 = tpu.memref_slice %arg4[%mul3A_2] : memref<425984xi32, #tpu.memory_space<hbm>> -> memref<13312xi32, #tpu.memory_space<hbm>>
      tpu.wait_dma2 semaphore(%run_scoped3A : memref<!tpu.dma_semaphore, #tpu.memory_space<semaphore_mem>>) src(%dma_wait3A_25 : memref<13312xi32, #tpu.memory_space<hbm>>) dst(%dma_wait3A_24 : memref<13312xi32, #tpu.memory_space<vmem>>)
      tpu.yield
    }) : () -> ()
    "tpu.region"() ({
      %run_scoped3A = tpu.sem_alloc : memref<!tpu.dma_semaphore, #tpu.memory_space<semaphore_mem>>
      %dma_start3A = arith.constant 0 : i32
      %dma_start3A_16 = tpu.memref_slice %arg10[%dma_start3A] : memref<13328xf32, #tpu.memory_space<vmem>> -> memref<13312xf32, #tpu.memory_space<vmem>>
      %dma_start3A_17 = tpu.memref_slice %arg5[%mul3A_2] : memref<425984xf32, #tpu.memory_space<hbm>> -> memref<13312xf32, #tpu.memory_space<hbm>>
      %dma_start3A_18 = arith.constant 0 : i32
      %dma_start3A_19 = tpu.memref_slice %arg10[%dma_start3A_18] : memref<13328xf32, #tpu.memory_space<vmem>> -> memref<13312xf32, #tpu.memory_space<vmem>>
      %dma_start3A_20 = tpu.memref_slice %arg5[%mul3A_2] : memref<425984xf32, #tpu.memory_space<hbm>> -> memref<13312xf32, #tpu.memory_space<hbm>>
      tpu.enqueue_dma source(%dma_start3A_20 : memref<13312xf32, #tpu.memory_space<hbm>>) target(%dma_start3A_19 : memref<13312xf32, #tpu.memory_space<vmem>>) target_semaphore(%run_scoped3A : memref<!tpu.dma_semaphore, #tpu.memory_space<semaphore_mem>>)
      %dma_wait3A = arith.constant 0 : i32
      %dma_wait3A_21 = tpu.memref_slice %arg10[%dma_wait3A] : memref<13328xf32, #tpu.memory_space<vmem>> -> memref<13312xf32, #tpu.memory_space<vmem>>
      %dma_wait3A_22 = tpu.memref_slice %arg5[%mul3A_2] : memref<425984xf32, #tpu.memory_space<hbm>> -> memref<13312xf32, #tpu.memory_space<hbm>>
      %dma_wait3A_23 = arith.constant 0 : i32
      %dma_wait3A_24 = tpu.memref_slice %arg10[%dma_wait3A_23] : memref<13328xf32, #tpu.memory_space<vmem>> -> memref<13312xf32, #tpu.memory_space<vmem>>
      %dma_wait3A_25 = tpu.memref_slice %arg5[%mul3A_2] : memref<425984xf32, #tpu.memory_space<hbm>> -> memref<13312xf32, #tpu.memory_space<hbm>>
      tpu.wait_dma2 semaphore(%run_scoped3A : memref<!tpu.dma_semaphore, #tpu.memory_space<semaphore_mem>>) src(%dma_wait3A_25 : memref<13312xf32, #tpu.memory_space<hbm>>) dst(%dma_wait3A_24 : memref<13312xf32, #tpu.memory_space<vmem>>)
      tpu.yield
    }) : () -> ()
    %scan3A = arith.constant 0 : i32
    %scan3A_5 = arith.constant 0 : i32
    %scan3A_6 = arith.constant 832 : i32
    %scan3A_7 = arith.addi %scan3A_5, %scan3A_6 : i32
    %scan3A_8 = arith.constant 1 : i32
    scf.for %scan3A_16 = %scan3A_5 to %scan3A_7 step %scan3A_8  : i32 {
      %mul3A_17 = arith.constant 16 : i32
      %mul3A_18 = arith.muli %scan3A_16, %mul3A_17 : i32
      %get3A_19 = arith.index_cast %mul3A_18 : i32 to index
      %get3A_20 = tpu.vector_load %arg8[%get3A_19] {strides = array<i32>} : memref<13328xi32, #tpu.memory_space<vmem>>, vector<16xi32>,
      %get3A_21 = vector.shape_cast %get3A_20 : vector<16xi32> to vector<16xi32>
      %broadcast_in_dim3A = arith.constant 524287 : i32
      %broadcast_in_dim3A_22 = vector.broadcast %broadcast_in_dim3A : i32 to vector<16xi32>
      %and3A = arith.andi %get3A_21, %broadcast_in_dim3A_22 : vector<16xi32>
      %swap3A = arith.index_cast %mul3A_18 : i32 to index
      %swap3A_23 = tpu.vector_load %arg9[%swap3A] {strides = array<i32>} : memref<13312xi32, #tpu.memory_space<vmem>>, vector<16xi32>,
      %swap3A_24 = vector.shape_cast %swap3A_23 : vector<16xi32> to vector<16xi32>
      %swap3A_25 = vector.shape_cast %and3A : vector<16xi32> to vector<16xi32>
      tpu.vector_store %arg9[%swap3A], %swap3A_25 {strides = array<i32>} : memref<13312xi32, #tpu.memory_space<vmem>>, vector<16xi32>,
    }
    %scan3A_9 = arith.constant 832 : i32
    %scan3A_10 = arith.constant 0 : i32
    %scan3A_11 = arith.constant 0 : i32
    %scan3A_12 = arith.constant 32 : i32
    %scan3A_13 = arith.addi %scan3A_11, %scan3A_12 : i32
    %scan3A_14 = arith.constant 1 : i32
    scf.for %scan3A_16 = %scan3A_11 to %scan3A_13 step %scan3A_14  : i32 {
      %mul3A_17 = arith.constant 416 : i32
      %mul3A_18 = arith.muli %scan3A_16, %mul3A_17 : i32
      %mul3A_19 = arith.constant 512 : i32
      %mul3A_20 = arith.muli %add3A, %mul3A_19 : i32
      %mul3A_21 = arith.constant 16 : i32
      %mul3A_22 = arith.muli %scan3A_16, %mul3A_21 : i32
      %add3A_23 = arith.addi %mul3A_20, %mul3A_22 : i32
      %add3A_24 = arith.constant 0 : i32
      %add3A_25 = arith.addi %mul3A_18, %add3A_24 : i32
      %add3A_26 = arith.constant 0 : i32
      %add3A_27 = arith.addi %mul3A_18, %add3A_26 : i32
      %add3A_28 = arith.constant 128 : i32
      %add3A_29 = arith.addi %mul3A_18, %add3A_28 : i32
      %add3A_30 = arith.constant 128 : i32
      %add3A_31 = arith.addi %mul3A_18, %add3A_30 : i32
      %add3A_32 = arith.constant 256 : i32
      %add3A_33 = arith.addi %mul3A_18, %add3A_32 : i32
      %add3A_34 = arith.constant 256 : i32
      %add3A_35 = arith.addi %mul3A_18, %add3A_34 : i32
      %add3A_36 = arith.constant 384 : i32
      %add3A_37 = arith.addi %mul3A_18, %add3A_36 : i32
      %add3A_38 = arith.constant 384 : i32
      %add3A_39 = arith.addi %mul3A_18, %add3A_38 : i32
      %dma_start3A = arith.constant 0 : i32
      %dma_start3A_40 = arith.constant 0 : i32
      %dma_start3A_41 = tpu.memref_slice %arg11[%dma_start3A, %dma_start3A_40] : memref<416x128xf32, #tpu.memory_space<vmem>> -> memref<128x128xf32, #tpu.memory_space<vmem>>
      %dma_start3A_42 = tpu.memref_slice %arg9[%add3A_25] : memref<13312xi32, #tpu.memory_space<vmem>> -> memref<128xi32, #tpu.memory_space<vmem>>
      %dma_start3A_43 = arith.constant 0 : i32
      %dma_start3A_44 = arith.constant 0 : i32
      %dma_start3A_45 = tpu.memref_slice %arg2[%dma_start3A_43, %dma_start3A_44] : memref<524288x128xf32, #tpu.memory_space<hbm>> -> memref<524288x128xf32, #tpu.memory_space<hbm>>
      tpu.enqueue_indirect_dma source(%dma_start3A_45 : memref<524288x128xf32, #tpu.memory_space<hbm>>) target(%dma_start3A_41 : memref<128x128xf32, #tpu.memory_space<vmem>>) offsets(%dma_start3A_42 : memref<128xi32, #tpu.memory_space<vmem>>) semaphore(%arg15 : memref<!tpu.dma_semaphore, #tpu.memory_space<semaphore_mem>>)
      %dma_start3A_46 = arith.constant 0 : i32
      %dma_start3A_47 = tpu.memref_slice %arg12[%dma_start3A_46] : memref<432xf32, #tpu.memory_space<vmem>> -> memref<128xf32, #tpu.memory_space<vmem>>
      %dma_start3A_48 = tpu.memref_slice %arg8[%add3A_27] : memref<13328xi32, #tpu.memory_space<vmem>> -> memref<128xi32, #tpu.memory_space<vmem>>
      %dma_start3A_49 = arith.constant 0 : i32
      %dma_start3A_50 = tpu.memref_slice %arg3[%dma_start3A_49] : memref<1000000xf32, #tpu.memory_space<hbm>> -> memref<1000000xf32, #tpu.memory_space<hbm>>
      tpu.enqueue_indirect_dma source(%dma_start3A_50 : memref<1000000xf32, #tpu.memory_space<hbm>>) target(%dma_start3A_47 : memref<128xf32, #tpu.memory_space<vmem>>) offsets(%dma_start3A_48 : memref<128xi32, #tpu.memory_space<vmem>>) semaphore(%arg16 : memref<!tpu.dma_semaphore, #tpu.memory_space<semaphore_mem>>)
      %dma_start3A_51 = arith.constant 128 : i32
      %dma_start3A_52 = arith.constant 0 : i32
      %dma_start3A_53 = tpu.memref_slice %arg11[%dma_start3A_51, %dma_start3A_52] : memref<416x128xf32, #tpu.memory_space<vmem>> -> memref<128x128xf32, #tpu.memory_space<vmem>>
      %dma_start3A_54 = tpu.memref_slice %arg9[%add3A_29] : memref<13312xi32, #tpu.memory_space<vmem>> -> memref<128xi32, #tpu.memory_space<vmem>>
      %dma_start3A_55 = arith.constant 0 : i32
      %dma_start3A_56 = arith.constant 0 : i32
      %dma_start3A_57 = tpu.memref_slice %arg2[%dma_start3A_55, %dma_start3A_56] : memref<524288x128xf32, #tpu.memory_space<hbm>> -> memref<524288x128xf32, #tpu.memory_space<hbm>>
      tpu.enqueue_indirect_dma source(%dma_start3A_57 : memref<524288x128xf32, #tpu.memory_space<hbm>>) target(%dma_start3A_53 : memref<128x128xf32, #tpu.memory_space<vmem>>) offsets(%dma_start3A_54 : memref<128xi32, #tpu.memory_space<vmem>>) semaphore(%arg15 : memref<!tpu.dma_semaphore, #tpu.memory_space<semaphore_mem>>)
      %dma_start3A_58 = arith.constant 128 : i32
      %dma_start3A_59 = tpu.memref_slice %arg12[%dma_start3A_58] : memref<432xf32, #tpu.memory_space<vmem>> -> memref<128xf32, #tpu.memory_space<vmem>>
      %dma_start3A_60 = tpu.memref_slice %arg8[%add3A_31] : memref<13328xi32, #tpu.memory_space<vmem>> -> memref<128xi32, #tpu.memory_space<vmem>>
      %dma_start3A_61 = arith.constant 0 : i32
      %dma_start3A_62 = tpu.memref_slice %arg3[%dma_start3A_61] : memref<1000000xf32, #tpu.memory_space<hbm>> -> memref<1000000xf32, #tpu.memory_space<hbm>>
      tpu.enqueue_indirect_dma source(%dma_start3A_62 : memref<1000000xf32, #tpu.memory_space<hbm>>) target(%dma_start3A_59 : memref<128xf32, #tpu.memory_space<vmem>>) offsets(%dma_start3A_60 : memref<128xi32, #tpu.memory_space<vmem>>) semaphore(%arg16 : memref<!tpu.dma_semaphore, #tpu.memory_space<semaphore_mem>>)
      %dma_start3A_63 = arith.constant 256 : i32
      %dma_start3A_64 = arith.constant 0 : i32
      %dma_start3A_65 = tpu.memref_slice %arg11[%dma_start3A_63, %dma_start3A_64] : memref<416x128xf32, #tpu.memory_space<vmem>> -> memref<128x128xf32, #tpu.memory_space<vmem>>
      %dma_start3A_66 = tpu.memref_slice %arg9[%add3A_33] : memref<13312xi32, #tpu.memory_space<vmem>> -> memref<128xi32, #tpu.memory_space<vmem>>
      %dma_start3A_67 = arith.constant 0 : i32
      %dma_start3A_68 = arith.constant 0 : i32
      %dma_start3A_69 = tpu.memref_slice %arg2[%dma_start3A_67, %dma_start3A_68] : memref<524288x128xf32, #tpu.memory_space<hbm>> -> memref<524288x128xf32, #tpu.memory_space<hbm>>
      tpu.enqueue_indirect_dma source(%dma_start3A_69 : memref<524288x128xf32, #tpu.memory_space<hbm>>) target(%dma_start3A_65 : memref<128x128xf32, #tpu.memory_space<vmem>>) offsets(%dma_start3A_66 : memref<128xi32, #tpu.memory_space<vmem>>) semaphore(%arg15 : memref<!tpu.dma_semaphore, #tpu.memory_space<semaphore_mem>>)
      %dma_start3A_70 = arith.constant 256 : i32
      %dma_start3A_71 = tpu.memref_slice %arg12[%dma_start3A_70] : memref<432xf32, #tpu.memory_space<vmem>> -> memref<128xf32, #tpu.memory_space<vmem>>
      %dma_start3A_72 = tpu.memref_slice %arg8[%add3A_35] : memref<13328xi32, #tpu.memory_space<vmem>> -> memref<128xi32, #tpu.memory_space<vmem>>
      %dma_start3A_73 = arith.constant 0 : i32
      %dma_start3A_74 = tpu.memref_slice %arg3[%dma_start3A_73] : memref<1000000xf32, #tpu.memory_space<hbm>> -> memref<1000000xf32, #tpu.memory_space<hbm>>
      tpu.enqueue_indirect_dma source(%dma_start3A_74 : memref<1000000xf32, #tpu.memory_space<hbm>>) target(%dma_start3A_71 : memref<128xf32, #tpu.memory_space<vmem>>) offsets(%dma_start3A_72 : memref<128xi32, #tpu.memory_space<vmem>>) semaphore(%arg16 : memref<!tpu.dma_semaphore, #tpu.memory_space<semaphore_mem>>)
      %dma_start3A_75 = arith.constant 384 : i32
      %dma_start3A_76 = arith.constant 0 : i32
      %dma_start3A_77 = tpu.memref_slice %arg11[%dma_start3A_75, %dma_start3A_76] : memref<416x128xf32, #tpu.memory_space<vmem>> -> memref<32x128xf32, #tpu.memory_space<vmem>>
      %dma_start3A_78 = tpu.memref_slice %arg9[%add3A_37] : memref<13312xi32, #tpu.memory_space<vmem>> -> memref<32xi32, #tpu.memory_space<vmem>>
      %dma_start3A_79 = arith.constant 0 : i32
      %dma_start3A_80 = arith.constant 0 : i32
      %dma_start3A_81 = tpu.memref_slice %arg2[%dma_start3A_79, %dma_start3A_80] : memref<524288x128xf32, #tpu.memory_space<hbm>> -> memref<524288x128xf32, #tpu.memory_space<hbm>>
      tpu.enqueue_indirect_dma source(%dma_start3A_81 : memref<524288x128xf32, #tpu.memory_space<hbm>>) target(%dma_start3A_77 : memref<32x128xf32, #tpu.memory_space<vmem>>) offsets(%dma_start3A_78 : memref<32xi32, #tpu.memory_space<vmem>>) semaphore(%arg15 : memref<!tpu.dma_semaphore, #tpu.memory_space<semaphore_mem>>)
      %dma_start3A_82 = arith.constant 384 : i32
      %dma_start3A_83 = tpu.memref_slice %arg12[%dma_start3A_82] : memref<432xf32, #tpu.memory_space<vmem>> -> memref<32xf32, #tpu.memory_space<vmem>>
      %dma_start3A_84 = tpu.memref_slice %arg8[%add3A_39] : memref<13328xi32, #tpu.memory_space<vmem>> -> memref<32xi32, #tpu.memory_space<vmem>>
      %dma_start3A_85 = arith.constant 0 : i32
      %dma_start3A_86 = tpu.memref_slice %arg3[%dma_start3A_85] : memref<1000000xf32, #tpu.memory_space<hbm>> -> memref<1000000xf32, #tpu.memory_space<hbm>>
      tpu.enqueue_indirect_dma source(%dma_start3A_86 : memref<1000000xf32, #tpu.memory_space<hbm>>) target(%dma_start3A_83 : memref<32xf32, #tpu.memory_space<vmem>>) offsets(%dma_start3A_84 : memref<32xi32, #tpu.memory_space<vmem>>) semaphore(%arg16 : memref<!tpu.dma_semaphore, #tpu.memory_space<semaphore_mem>>)
      %dma_wait3A = arith.constant 0 : i32
      %dma_wait3A_87 = arith.constant 0 : i32
      %dma_wait3A_88 = tpu.memref_slice %arg11[%dma_wait3A, %dma_wait3A_87] : memref<416x128xf32, #tpu.memory_space<vmem>> -> memref<128x128xf32, #tpu.memory_space<vmem>>
      %dma_wait3A_89 = tpu.memref_slice %arg9[%add3A_25] : memref<13312xi32, #tpu.memory_space<vmem>> -> memref<128xi32, #tpu.memory_space<vmem>>
      %dma_wait3A_90 = arith.constant 0 : i32
      %dma_wait3A_91 = arith.constant 0 : i32
      %dma_wait3A_92 = tpu.memref_slice %arg2[%dma_wait3A_90, %dma_wait3A_91] : memref<524288x128xf32, #tpu.memory_space<hbm>> -> memref<524288x128xf32, #tpu.memory_space<hbm>>
      tpu.wait_indirect_dma semaphore(%arg15 : memref<!tpu.dma_semaphore, #tpu.memory_space<semaphore_mem>>) src(%dma_wait3A_92 : memref<524288x128xf32, #tpu.memory_space<hbm>>) dst(%dma_wait3A_88 : memref<128x128xf32, #tpu.memory_space<vmem>>)
      %dma_wait3A_93 = arith.constant 0 : i32
      %dma_wait3A_94 = tpu.memref_slice %arg12[%dma_wait3A_93] : memref<432xf32, #tpu.memory_space<vmem>> -> memref<128xf32, #tpu.memory_space<vmem>>
      %dma_wait3A_95 = tpu.memref_slice %arg8[%add3A_27] : memref<13328xi32, #tpu.memory_space<vmem>> -> memref<128xi32, #tpu.memory_space<vmem>>
      %dma_wait3A_96 = arith.constant 0 : i32
      %dma_wait3A_97 = tpu.memref_slice %arg3[%dma_wait3A_96] : memref<1000000xf32, #tpu.memory_space<hbm>> -> memref<1000000xf32, #tpu.memory_space<hbm>>
      tpu.wait_indirect_dma semaphore(%arg16 : memref<!tpu.dma_semaphore, #tpu.memory_space<semaphore_mem>>) src(%dma_wait3A_97 : memref<1000000xf32, #tpu.memory_space<hbm>>) dst(%dma_wait3A_94 : memref<128xf32, #tpu.memory_space<vmem>>)
      %dma_wait3A_98 = arith.constant 128 : i32
      %dma_wait3A_99 = arith.constant 0 : i32
      %dma_wait3A_100 = tpu.memref_slice %arg11[%dma_wait3A_98, %dma_wait3A_99] : memref<416x128xf32, #tpu.memory_space<vmem>> -> memref<128x128xf32, #tpu.memory_space<vmem>>
      %dma_wait3A_101 = tpu.memref_slice %arg9[%add3A_29] : memref<13312xi32, #tpu.memory_space<vmem>> -> memref<128xi32, #tpu.memory_space<vmem>>
      %dma_wait3A_102 = arith.constant 0 : i32
      %dma_wait3A_103 = arith.constant 0 : i32
      %dma_wait3A_104 = tpu.memref_slice %arg2[%dma_wait3A_102, %dma_wait3A_103] : memref<524288x128xf32, #tpu.memory_space<hbm>> -> memref<524288x128xf32, #tpu.memory_space<hbm>>
      tpu.wait_indirect_dma semaphore(%arg15 : memref<!tpu.dma_semaphore, #tpu.memory_space<semaphore_mem>>) src(%dma_wait3A_104 : memref<524288x128xf32, #tpu.memory_space<hbm>>) dst(%dma_wait3A_100 : memref<128x128xf32, #tpu.memory_space<vmem>>)
      %dma_wait3A_105 = arith.constant 128 : i32
      %dma_wait3A_106 = tpu.memref_slice %arg12[%dma_wait3A_105] : memref<432xf32, #tpu.memory_space<vmem>> -> memref<128xf32, #tpu.memory_space<vmem>>
      %dma_wait3A_107 = tpu.memref_slice %arg8[%add3A_31] : memref<13328xi32, #tpu.memory_space<vmem>> -> memref<128xi32, #tpu.memory_space<vmem>>
      %dma_wait3A_108 = arith.constant 0 : i32
      %dma_wait3A_109 = tpu.memref_slice %arg3[%dma_wait3A_108] : memref<1000000xf32, #tpu.memory_space<hbm>> -> memref<1000000xf32, #tpu.memory_space<hbm>>
      tpu.wait_indirect_dma semaphore(%arg16 : memref<!tpu.dma_semaphore, #tpu.memory_space<semaphore_mem>>) src(%dma_wait3A_109 : memref<1000000xf32, #tpu.memory_space<hbm>>) dst(%dma_wait3A_106 : memref<128xf32, #tpu.memory_space<vmem>>)
      %dma_wait3A_110 = arith.constant 256 : i32
      %dma_wait3A_111 = arith.constant 0 : i32
      %dma_wait3A_112 = tpu.memref_slice %arg11[%dma_wait3A_110, %dma_wait3A_111] : memref<416x128xf32, #tpu.memory_space<vmem>> -> memref<128x128xf32, #tpu.memory_space<vmem>>
      %dma_wait3A_113 = tpu.memref_slice %arg9[%add3A_33] : memref<13312xi32, #tpu.memory_space<vmem>> -> memref<128xi32, #tpu.memory_space<vmem>>
      %dma_wait3A_114 = arith.constant 0 : i32
      %dma_wait3A_115 = arith.constant 0 : i32
      %dma_wait3A_116 = tpu.memref_slice %arg2[%dma_wait3A_114, %dma_wait3A_115] : memref<524288x128xf32, #tpu.memory_space<hbm>> -> memref<524288x128xf32, #tpu.memory_space<hbm>>
      tpu.wait_indirect_dma semaphore(%arg15 : memref<!tpu.dma_semaphore, #tpu.memory_space<semaphore_mem>>) src(%dma_wait3A_116 : memref<524288x128xf32, #tpu.memory_space<hbm>>) dst(%dma_wait3A_112 : memref<128x128xf32, #tpu.memory_space<vmem>>)
      %dma_wait3A_117 = arith.constant 256 : i32
      %dma_wait3A_118 = tpu.memref_slice %arg12[%dma_wait3A_117] : memref<432xf32, #tpu.memory_space<vmem>> -> memref<128xf32, #tpu.memory_space<vmem>>
      %dma_wait3A_119 = tpu.memref_slice %arg8[%add3A_35] : memref<13328xi32, #tpu.memory_space<vmem>> -> memref<128xi32, #tpu.memory_space<vmem>>
      %dma_wait3A_120 = arith.constant 0 : i32
      %dma_wait3A_121 = tpu.memref_slice %arg3[%dma_wait3A_120] : memref<1000000xf32, #tpu.memory_space<hbm>> -> memref<1000000xf32, #tpu.memory_space<hbm>>
      tpu.wait_indirect_dma semaphore(%arg16 : memref<!tpu.dma_semaphore, #tpu.memory_space<semaphore_mem>>) src(%dma_wait3A_121 : memref<1000000xf32, #tpu.memory_space<hbm>>) dst(%dma_wait3A_118 : memref<128xf32, #tpu.memory_space<vmem>>)
      %dma_wait3A_122 = arith.constant 384 : i32
      %dma_wait3A_123 = arith.constant 0 : i32
      %dma_wait3A_124 = tpu.memref_slice %arg11[%dma_wait3A_122, %dma_wait3A_123] : memref<416x128xf32, #tpu.memory_space<vmem>> -> memref<32x128xf32, #tpu.memory_space<vmem>>
      %dma_wait3A_125 = tpu.memref_slice %arg9[%add3A_37] : memref<13312xi32, #tpu.memory_space<vmem>> -> memref<32xi32, #tpu.memory_space<vmem>>
      %dma_wait3A_126 = arith.constant 0 : i32
      %dma_wait3A_127 = arith.constant 0 : i32
      %dma_wait3A_128 = tpu.memref_slice %arg2[%dma_wait3A_126, %dma_wait3A_127] : memref<524288x128xf32, #tpu.memory_space<hbm>> -> memref<524288x128xf32, #tpu.memory_space<hbm>>
      tpu.wait_indirect_dma semaphore(%arg15 : memref<!tpu.dma_semaphore, #tpu.memory_space<semaphore_mem>>) src(%dma_wait3A_128 : memref<524288x128xf32, #tpu.memory_space<hbm>>) dst(%dma_wait3A_124 : memref<32x128xf32, #tpu.memory_space<vmem>>)
      %dma_wait3A_129 = arith.constant 384 : i32
      %dma_wait3A_130 = tpu.memref_slice %arg12[%dma_wait3A_129] : memref<432xf32, #tpu.memory_space<vmem>> -> memref<32xf32, #tpu.memory_space<vmem>>
      %dma_wait3A_131 = tpu.memref_slice %arg8[%add3A_39] : memref<13328xi32, #tpu.memory_space<vmem>> -> memref<32xi32, #tpu.memory_space<vmem>>
      %dma_wait3A_132 = arith.constant 0 : i32
      %dma_wait3A_133 = tpu.memref_slice %arg3[%dma_wait3A_132] : memref<1000000xf32, #tpu.memory_space<hbm>> -> memref<1000000xf32, #tpu.memory_space<hbm>>
      tpu.wait_indirect_dma semaphore(%arg16 : memref<!tpu.dma_semaphore, #tpu.memory_space<semaphore_mem>>) src(%dma_wait3A_133 : memref<1000000xf32, #tpu.memory_space<hbm>>) dst(%dma_wait3A_130 : memref<32xf32, #tpu.memory_space<vmem>>)
      %scan3A_134 = arith.constant 0 : i32
      %scan3A_135 = arith.constant 0 : i32
      %scan3A_136 = arith.constant 16 : i32
      %scan3A_137 = arith.addi %scan3A_135, %scan3A_136 : i32
      %scan3A_138 = arith.constant 1 : i32
      scf.for %scan3A_140 = %scan3A_135 to %scan3A_137 step %scan3A_138  : i32 {
        %mul3A_141 = arith.constant 26 : i32
        %mul3A_142 = arith.muli %scan3A_140, %mul3A_141 : i32
        %add3A_143 = arith.addi %mul3A_18, %mul3A_142 : i32
        %broadcast_in_dim3A = arith.constant 0.000000e+00 : f32
        %broadcast_in_dim3A_144 = vector.broadcast %broadcast_in_dim3A : f32 to vector<16xf32>
        %get3A_145 = arith.index_cast %add3A_143 : i32 to index
        %get3A_146 = tpu.vector_load %arg10[%get3A_145] {strides = array<i32>} : memref<13328xf32, #tpu.memory_space<vmem>>, vector<16xf32>,
        %get3A_147 = vector.shape_cast %get3A_146 : vector<16xf32> to vector<16xf32>
        %add3A_148 = arith.constant 16 : i32
        %add3A_149 = arith.addi %add3A_143, %add3A_148 : i32
        %get3A_150 = arith.index_cast %add3A_149 : i32 to index
        %get3A_151 = tpu.vector_load %arg10[%get3A_150] {strides = array<i32>} : memref<13328xf32, #tpu.memory_space<vmem>>, vector<16xf32>,
        %get3A_152 = vector.shape_cast %get3A_151 : vector<16xf32> to vector<16xf32>
        %get3A_153 = arith.index_cast %add3A_143 : i32 to index
        %get3A_154 = tpu.vector_load %arg8[%get3A_153] {strides = array<i32>} : memref<13328xi32, #tpu.memory_space<vmem>>, vector<16xi32>,
        %get3A_155 = vector.shape_cast %get3A_154 : vector<16xi32> to vector<16xi32>
        %add3A_156 = arith.constant 16 : i32
        %add3A_157 = arith.addi %add3A_143, %add3A_156 : i32
        %get3A_158 = arith.index_cast %add3A_157 : i32 to index
        %get3A_159 = tpu.vector_load %arg8[%get3A_158] {strides = array<i32>} : memref<13328xi32, #tpu.memory_space<vmem>>, vector<16xi32>,
        %get3A_160 = vector.shape_cast %get3A_159 : vector<16xi32> to vector<16xi32>
        %broadcast_in_dim3A_161 = arith.constant 0 : i32
        %broadcast_in_dim3A_162 = vector.broadcast %broadcast_in_dim3A_161 : i32 to vector<16x1xi32>
        %gather3A = vector.shape_cast %broadcast_in_dim3A_162 : vector<16x1xi32> to vector<16xi32>
        %gather3A_163 = tpu.dynamic_gather %get3A_147[%gather3A] in [0] : vector<16xf32>, vector<16xi32> -> vector<16xf32>
        %broadcast_in_dim3A_164 = arith.constant 0 : i32
        %broadcast_in_dim3A_165 = vector.broadcast %broadcast_in_dim3A_164 : i32 to vector<16x1xi32>
        %gather3A_166 = vector.shape_cast %broadcast_in_dim3A_165 : vector<16x1xi32> to vector<16xi32>
        %gather3A_167 = tpu.dynamic_gather %get3A_155[%gather3A_166] in [0] : vector<16xi32>, vector<16xi32> -> vector<16xi32>
        %broadcast_in_dim3A_168 = arith.constant 19 : i32
        %broadcast_in_dim3A_169 = vector.broadcast %broadcast_in_dim3A_168 : i32 to vector<16xi32>
        %shift_right_logical3A = arith.shrui %gather3A_167, %broadcast_in_dim3A_169 : vector<16xi32>
        %add3A_170 = arith.constant 0 : i32
        %add3A_171 = arith.addi %mul3A_142, %add3A_170 : i32
        %get3A_172 = arith.index_cast %add3A_171 : i32 to index
        %get3A_173 = arith.constant 0 : index
        %get3A_174 = tpu.vector_load %arg11[%get3A_172, %get3A_173] {strides = array<i32>} : memref<416x128xf32, #tpu.memory_space<vmem>>, vector<1x16xf32>,
        %get3A_175 = vector.shape_cast %get3A_174 : vector<1x16xf32> to vector<16xf32>
        %add3A_176 = arith.constant 0 : i32
        %add3A_177 = arith.addi %mul3A_142, %add3A_176 : i32
        %get3A_178 = arith.index_cast %add3A_177 : i32 to index
        %get3A_179 = arith.constant 64 : index
        %get3A_180 = tpu.vector_load %arg11[%get3A_178, %get3A_179] {strides = array<i32>} : memref<416x128xf32, #tpu.memory_space<vmem>>, vector<1x16xf32>,
        %get3A_181 = vector.shape_cast %get3A_180 : vector<1x16xf32> to vector<16xf32>
        %add3A_182 = arith.constant 0 : i32
        %add3A_183 = arith.addi %mul3A_142, %add3A_182 : i32
        %get3A_184 = arith.index_cast %add3A_183 : i32 to index
        %get3A_185 = arith.constant 16 : index
        %get3A_186 = tpu.vector_load %arg11[%get3A_184, %get3A_185] {strides = array<i32>} : memref<416x128xf32, #tpu.memory_space<vmem>>, vector<1x16xf32>,
        %get3A_187 = vector.shape_cast %get3A_186 : vector<1x16xf32> to vector<16xf32>
        %add3A_188 = arith.constant 0 : i32
        %add3A_189 = arith.addi %mul3A_142, %add3A_188 : i32
        %get3A_190 = arith.index_cast %add3A_189 : i32 to index
        %get3A_191 = arith.constant 80 : index
        %get3A_192 = tpu.vector_load %arg11[%get3A_190, %get3A_191] {strides = array<i32>} : memref<416x128xf32, #tpu.memory_space<vmem>>, vector<1x16xf32>,
        %get3A_193 = vector.shape_cast %get3A_192 : vector<1x16xf32> to vector<16xf32>
        %convert_element_type3A = arith.sitofp %shift_right_logical3A : vector<16xi32> to vector<16xf32>
        %sub3A = arith.subf %get3A_181, %get3A_175 : vector<16xf32>
        %mul3A_194 = arith.mulf %sub3A, %convert_element_type3A : vector<16xf32>
        %add3A_195 = arith.addf %get3A_175, %mul3A_194 : vector<16xf32>
        %sub3A_196 = arith.subf %get3A_193, %get3A_187 : vector<16xf32>
        %mul3A_197 = arith.mulf %sub3A_196, %convert_element_type3A : vector<16xf32>
        %add3A_198 = arith.addf %get3A_187, %mul3A_197 : vector<16xf32>
        %mul3A_199 = arith.mulf %add3A_195, %gather3A_163 : vector<16xf32>
        %mul3A_200 = arith.mulf %add3A_198, %gather3A_163 : vector<16xf32>
        %add3A_201 = arith.addf %broadcast_in_dim3A_144, %mul3A_199 : vector<16xf32>
        %add3A_202 = arith.addf %broadcast_in_dim3A_144, %mul3A_200 : vector<16xf32>
        %mul3A_203 = arith.mulf %mul3A_199, %mul3A_199 : vector<16xf32>
        %add3A_204 = arith.addf %broadcast_in_dim3A_144, %mul3A_203 : vector<16xf32>
        %mul3A_205 = arith.mulf %mul3A_200, %mul3A_200 : vector<16xf32>
        %add3A_206 = arith.addf %broadcast_in_dim3A_144, %mul3A_205 : vector<16xf32>
        %broadcast_in_dim3A_207 = arith.constant 1 : i32
        %broadcast_in_dim3A_208 = vector.broadcast %broadcast_in_dim3A_207 : i32 to vector<16x1xi32>
        %gather3A_209 = vector.shape_cast %broadcast_in_dim3A_208 : vector<16x1xi32> to vector<16xi32>
        %gather3A_210 = tpu.dynamic_gather %get3A_147[%gather3A_209] in [0] : vector<16xf32>, vector<16xi32> -> vector<16xf32>
        %broadcast_in_dim3A_211 = arith.constant 1 : i32
        %broadcast_in_dim3A_212 = vector.broadcast %broadcast_in_dim3A_211 : i32 to vector<16x1xi32>
        %gather3A_213 = vector.shape_cast %broadcast_in_dim3A_212 : vector<16x1xi32> to vector<16xi32>
        %gather3A_214 = tpu.dynamic_gather %get3A_155[%gather3A_213] in [0] : vector<16xi32>, vector<16xi32> -> vector<16xi32>
        %broadcast_in_dim3A_215 = arith.constant 19 : i32
        %broadcast_in_dim3A_216 = vector.broadcast %broadcast_in_dim3A_215 : i32 to vector<16xi32>
        %shift_right_logical3A_217 = arith.shrui %gather3A_214, %broadcast_in_dim3A_216 : vector<16xi32>
        %add3A_218 = arith.constant 1 : i32
        %add3A_219 = arith.addi %mul3A_142, %add3A_218 : i32
        %get3A_220 = arith.index_cast %add3A_219 : i32 to index
        %get3A_221 = arith.constant 0 : index
        %get3A_222 = tpu.vector_load %arg11[%get3A_220, %get3A_221] {strides = array<i32>} : memref<416x128xf32, #tpu.memory_space<vmem>>, vector<1x16xf32>,
        %get3A_223 = vector.shape_cast %get3A_222 : vector<1x16xf32> to vector<16xf32>
        %add3A_224 = arith.constant 1 : i32
        %add3A_225 = arith.addi %mul3A_142, %add3A_224 : i32
        %get3A_226 = arith.index_cast %add3A_225 : i32 to index
        %get3A_227 = arith.constant 64 : index
        %get3A_228 = tpu.vector_load %arg11[%get3A_226, %get3A_227] {strides = array<i32>} : memref<416x128xf32, #tpu.memory_space<vmem>>, vector<1x16xf32>,
        %get3A_229 = vector.shape_cast %get3A_228 : vector<1x16xf32> to vector<16xf32>
        %add3A_230 = arith.constant 1 : i32
        %add3A_231 = arith.addi %mul3A_142, %add3A_230 : i32
        %get3A_232 = arith.index_cast %add3A_231 : i32 to index
        %get3A_233 = arith.constant 16 : index
        %get3A_234 = tpu.vector_load %arg11[%get3A_232, %get3A_233] {strides = array<i32>} : memref<416x128xf32, #tpu.memory_space<vmem>>, vector<1x16xf32>,
        %get3A_235 = vector.shape_cast %get3A_234 : vector<1x16xf32> to vector<16xf32>
        %add3A_236 = arith.constant 1 : i32
        %add3A_237 = arith.addi %mul3A_142, %add3A_236 : i32
        %get3A_238 = arith.index_cast %add3A_237 : i32 to index
        %get3A_239 = arith.constant 80 : index
        %get3A_240 = tpu.vector_load %arg11[%get3A_238, %get3A_239] {strides = array<i32>} : memref<416x128xf32, #tpu.memory_space<vmem>>, vector<1x16xf32>,
        %get3A_241 = vector.shape_cast %get3A_240 : vector<1x16xf32> to vector<16xf32>
        %convert_element_type3A_242 = arith.sitofp %shift_right_logical3A_217 : vector<16xi32> to vector<16xf32>
        %sub3A_243 = arith.subf %get3A_229, %get3A_223 : vector<16xf32>
        %mul3A_244 = arith.mulf %sub3A_243, %convert_element_type3A_242 : vector<16xf32>
        %add3A_245 = arith.addf %get3A_223, %mul3A_244 : vector<16xf32>
        %sub3A_246 = arith.subf %get3A_241, %get3A_235 : vector<16xf32>
        %mul3A_247 = arith.mulf %sub3A_246, %convert_element_type3A_242 : vector<16xf32>
        %add3A_248 = arith.addf %get3A_235, %mul3A_247 : vector<16xf32>
        %mul3A_249 = arith.mulf %add3A_245, %gather3A_210 : vector<16xf32>
        %mul3A_250 = arith.mulf %add3A_248, %gather3A_210 : vector<16xf32>
        %add3A_251 = arith.addf %add3A_201, %mul3A_249 : vector<16xf32>
        %add3A_252 = arith.addf %add3A_202, %mul3A_250 : vector<16xf32>
        %mul3A_253 = arith.mulf %mul3A_249, %mul3A_249 : vector<16xf32>
        %add3A_254 = arith.addf %add3A_204, %mul3A_253 : vector<16xf32>
        %mul3A_255 = arith.mulf %mul3A_250, %mul3A_250 : vector<16xf32>
        %add3A_256 = arith.addf %add3A_206, %mul3A_255 : vector<16xf32>
        %broadcast_in_dim3A_257 = arith.constant 2 : i32
        %broadcast_in_dim3A_258 = vector.broadcast %broadcast_in_dim3A_257 : i32 to vector<16x1xi32>
        %gather3A_259 = vector.shape_cast %broadcast_in_dim3A_258 : vector<16x1xi32> to vector<16xi32>
        %gather3A_260 = tpu.dynamic_gather %get3A_147[%gather3A_259] in [0] : vector<16xf32>, vector<16xi32> -> vector<16xf32>
        %broadcast_in_dim3A_261 = arith.constant 2 : i32
        %broadcast_in_dim3A_262 = vector.broadcast %broadcast_in_dim3A_261 : i32 to vector<16x1xi32>
        %gather3A_263 = vector.shape_cast %broadcast_in_dim3A_262 : vector<16x1xi32> to vector<16xi32>
        %gather3A_264 = tpu.dynamic_gather %get3A_155[%gather3A_263] in [0] : vector<16xi32>, vector<16xi32> -> vector<16xi32>
        %broadcast_in_dim3A_265 = arith.constant 19 : i32
        %broadcast_in_dim3A_266 = vector.broadcast %broadcast_in_dim3A_265 : i32 to vector<16xi32>
        %shift_right_logical3A_267 = arith.shrui %gather3A_264, %broadcast_in_dim3A_266 : vector<16xi32>
        %add3A_268 = arith.constant 2 : i32
        %add3A_269 = arith.addi %mul3A_142, %add3A_268 : i32
        %get3A_270 = arith.index_cast %add3A_269 : i32 to index
        %get3A_271 = arith.constant 0 : index
        %get3A_272 = tpu.vector_load %arg11[%get3A_270, %get3A_271] {strides = array<i32>} : memref<416x128xf32, #tpu.memory_space<vmem>>, vector<1x16xf32>,
        %get3A_273 = vector.shape_cast %get3A_272 : vector<1x16xf32> to vector<16xf32>
        %add3A_274 = arith.constant 2 : i32
        %add3A_275 = arith.addi %mul3A_142, %add3A_274 : i32
        %get3A_276 = arith.index_cast %add3A_275 : i32 to index
        %get3A_277 = arith.constant 64 : index
        %get3A_278 = tpu.vector_load %arg11[%get3A_276, %get3A_277] {strides = array<i32>} : memref<416x128xf32, #tpu.memory_space<vmem>>, vector<1x16xf32>,
        %get3A_279 = vector.shape_cast %get3A_278 : vector<1x16xf32> to vector<16xf32>
        %add3A_280 = arith.constant 2 : i32
        %add3A_281 = arith.addi %mul3A_142, %add3A_280 : i32
        %get3A_282 = arith.index_cast %add3A_281 : i32 to index
        %get3A_283 = arith.constant 16 : index
        %get3A_284 = tpu.vector_load %arg11[%get3A_282, %get3A_283] {strides = array<i32>} : memref<416x128xf32, #tpu.memory_space<vmem>>, vector<1x16xf32>,
        %get3A_285 = vector.shape_cast %get3A_284 : vector<1x16xf32> to vector<16xf32>
        %add3A_286 = arith.constant 2 : i32
        %add3A_287 = arith.addi %mul3A_142, %add3A_286 : i32
        %get3A_288 = arith.index_cast %add3A_287 : i32 to index
        %get3A_289 = arith.constant 80 : index
        %get3A_290 = tpu.vector_load %arg11[%get3A_288, %get3A_289] {strides = array<i32>} : memref<416x128xf32, #tpu.memory_space<vmem>>, vector<1x16xf32>,
        %get3A_291 = vector.shape_cast %get3A_290 : vector<1x16xf32> to vector<16xf32>
        %convert_element_type3A_292 = arith.sitofp %shift_right_logical3A_267 : vector<16xi32> to vector<16xf32>
        %sub3A_293 = arith.subf %get3A_279, %get3A_273 : vector<16xf32>
        %mul3A_294 = arith.mulf %sub3A_293, %convert_element_type3A_292 : vector<16xf32>
        %add3A_295 = arith.addf %get3A_273, %mul3A_294 : vector<16xf32>
        %sub3A_296 = arith.subf %get3A_291, %get3A_285 : vector<16xf32>
        %mul3A_297 = arith.mulf %sub3A_296, %convert_element_type3A_292 : vector<16xf32>
        %add3A_298 = arith.addf %get3A_285, %mul3A_297 : vector<16xf32>
        %mul3A_299 = arith.mulf %add3A_295, %gather3A_260 : vector<16xf32>
        %mul3A_300 = arith.mulf %add3A_298, %gather3A_260 : vector<16xf32>
        %add3A_301 = arith.addf %add3A_251, %mul3A_299 : vector<16xf32>
        %add3A_302 = arith.addf %add3A_252, %mul3A_300 : vector<16xf32>
        %mul3A_303 = arith.mulf %mul3A_299, %mul3A_299 : vector<16xf32>
        %add3A_304 = arith.addf %add3A_254, %mul3A_303 : vector<16xf32>
        %mul3A_305 = arith.mulf %mul3A_300, %mul3A_300 : vector<16xf32>
        %add3A_306 = arith.addf %add3A_256, %mul3A_305 : vector<16xf32>
        %broadcast_in_dim3A_307 = arith.constant 3 : i32
        %broadcast_in_dim3A_308 = vector.broadcast %broadcast_in_dim3A_307 : i32 to vector<16x1xi32>
        %gather3A_309 = vector.shape_cast %broadcast_in_dim3A_308 : vector<16x1xi32> to vector<16xi32>
        %gather3A_310 = tpu.dynamic_gather %get3A_147[%gather3A_309] in [0] : vector<16xf32>, vector<16xi32> -> vector<16xf32>
        %broadcast_in_dim3A_311 = arith.constant 3 : i32
        %broadcast_in_dim3A_312 = vector.broadcast %broadcast_in_dim3A_311 : i32 to vector<16x1xi32>
        %gather3A_313 = vector.shape_cast %broadcast_in_dim3A_312 : vector<16x1xi32> to vector<16xi32>
        %gather3A_314 = tpu.dynamic_gather %get3A_155[%gather3A_313] in [0] : vector<16xi32>, vector<16xi32> -> vector<16xi32>
        %broadcast_in_dim3A_315 = arith.constant 19 : i32
        %broadcast_in_dim3A_316 = vector.broadcast %broadcast_in_dim3A_315 : i32 to vector<16xi32>
        %shift_right_logical3A_317 = arith.shrui %gather3A_314, %broadcast_in_dim3A_316 : vector<16xi32>
        %add3A_318 = arith.constant 3 : i32
        %add3A_319 = arith.addi %mul3A_142, %add3A_318 : i32
        %get3A_320 = arith.index_cast %add3A_319 : i32 to index
        %get3A_321 = arith.constant 0 : index
        %get3A_322 = tpu.vector_load %arg11[%get3A_320, %get3A_321] {strides = array<i32>} : memref<416x128xf32, #tpu.memory_space<vmem>>, vector<1x16xf32>,
        %get3A_323 = vector.shape_cast %get3A_322 : vector<1x16xf32> to vector<16xf32>
        %add3A_324 = arith.constant 3 : i32
        %add3A_325 = arith.addi %mul3A_142, %add3A_324 : i32
        %get3A_326 = arith.index_cast %add3A_325 : i32 to index
        %get3A_327 = arith.constant 64 : index
        %get3A_328 = tpu.vector_load %arg11[%get3A_326, %get3A_327] {strides = array<i32>} : memref<416x128xf32, #tpu.memory_space<vmem>>, vector<1x16xf32>,
        %get3A_329 = vector.shape_cast %get3A_328 : vector<1x16xf32> to vector<16xf32>
        %add3A_330 = arith.constant 3 : i32
        %add3A_331 = arith.addi %mul3A_142, %add3A_330 : i32
        %get3A_332 = arith.index_cast %add3A_331 : i32 to index
        %get3A_333 = arith.constant 16 : index
        %get3A_334 = tpu.vector_load %arg11[%get3A_332, %get3A_333] {strides = array<i32>} : memref<416x128xf32, #tpu.memory_space<vmem>>, vector<1x16xf32>,
        %get3A_335 = vector.shape_cast %get3A_334 : vector<1x16xf32> to vector<16xf32>
        %add3A_336 = arith.constant 3 : i32
        %add3A_337 = arith.addi %mul3A_142, %add3A_336 : i32
        %get3A_338 = arith.index_cast %add3A_337 : i32 to index
        %get3A_339 = arith.constant 80 : index
        %get3A_340 = tpu.vector_load %arg11[%get3A_338, %get3A_339] {strides = array<i32>} : memref<416x128xf32, #tpu.memory_space<vmem>>, vector<1x16xf32>,
        %get3A_341 = vector.shape_cast %get3A_340 : vector<1x16xf32> to vector<16xf32>
        %convert_element_type3A_342 = arith.sitofp %shift_right_logical3A_317 : vector<16xi32> to vector<16xf32>
        %sub3A_343 = arith.subf %get3A_329, %get3A_323 : vector<16xf32>
        %mul3A_344 = arith.mulf %sub3A_343, %convert_element_type3A_342 : vector<16xf32>
        %add3A_345 = arith.addf %get3A_323, %mul3A_344 : vector<16xf32>
        %sub3A_346 = arith.subf %get3A_341, %get3A_335 : vector<16xf32>
        %mul3A_347 = arith.mulf %sub3A_346, %convert_element_type3A_342 : vector<16xf32>
        %add3A_348 = arith.addf %get3A_335, %mul3A_347 : vector<16xf32>
        %mul3A_349 = arith.mulf %add3A_345, %gather3A_310 : vector<16xf32>
        %mul3A_350 = arith.mulf %add3A_348, %gather3A_310 : vector<16xf32>
        %add3A_351 = arith.addf %add3A_301, %mul3A_349 : vector<16xf32>
        %add3A_352 = arith.addf %add3A_302, %mul3A_350 : vector<16xf32>
        %mul3A_353 = arith.mulf %mul3A_349, %mul3A_349 : vector<16xf32>
        %add3A_354 = arith.addf %add3A_304, %mul3A_353 : vector<16xf32>
        %mul3A_355 = arith.mulf %mul3A_350, %mul3A_350 : vector<16xf32>
        %add3A_356 = arith.addf %add3A_306, %mul3A_355 : vector<16xf32>
        %broadcast_in_dim3A_357 = arith.constant 4 : i32
        %broadcast_in_dim3A_358 = vector.broadcast %broadcast_in_dim3A_357 : i32 to vector<16x1xi32>
        %gather3A_359 = vector.shape_cast %broadcast_in_dim3A_358 : vector<16x1xi32> to vector<16xi32>
        %gather3A_360 = tpu.dynamic_gather %get3A_147[%gather3A_359] in [0] : vector<16xf32>, vector<16xi32> -> vector<16xf32>
        %broadcast_in_dim3A_361 = arith.constant 4 : i32
        %broadcast_in_dim3A_362 = vector.broadcast %broadcast_in_dim3A_361 : i32 to vector<16x1xi32>
        %gather3A_363 = vector.shape_cast %broadcast_in_dim3A_362 : vector<16x1xi32> to vector<16xi32>
        %gather3A_364 = tpu.dynamic_gather %get3A_155[%gather3A_363] in [0] : vector<16xi32>, vector<16xi32> -> vector<16xi32>
        %broadcast_in_dim3A_365 = arith.constant 19 : i32
        %broadcast_in_dim3A_366 = vector.broadcast %broadcast_in_dim3A_365 : i32 to vector<16xi32>
        %shift_right_logical3A_367 = arith.shrui %gather3A_364, %broadcast_in_dim3A_366 : vector<16xi32>
        %add3A_368 = arith.constant 4 : i32
        %add3A_369 = arith.addi %mul3A_142, %add3A_368 : i32
        %get3A_370 = arith.index_cast %add3A_369 : i32 to index
        %get3A_371 = arith.constant 0 : index
        %get3A_372 = tpu.vector_load %arg11[%get3A_370, %get3A_371] {strides = array<i32>} : memref<416x128xf32, #tpu.memory_space<vmem>>, vector<1x16xf32>,
        %get3A_373 = vector.shape_cast %get3A_372 : vector<1x16xf32> to vector<16xf32>
        %add3A_374 = arith.constant 4 : i32
        %add3A_375 = arith.addi %mul3A_142, %add3A_374 : i32
        %get3A_376 = arith.index_cast %add3A_375 : i32 to index
        %get3A_377 = arith.constant 64 : index
        %get3A_378 = tpu.vector_load %arg11[%get3A_376, %get3A_377] {strides = array<i32>} : memref<416x128xf32, #tpu.memory_space<vmem>>, vector<1x16xf32>,
        %get3A_379 = vector.shape_cast %get3A_378 : vector<1x16xf32> to vector<16xf32>
        %add3A_380 = arith.constant 4 : i32
        %add3A_381 = arith.addi %mul3A_142, %add3A_380 : i32
        %get3A_382 = arith.index_cast %add3A_381 : i32 to index
        %get3A_383 = arith.constant 16 : index
        %get3A_384 = tpu.vector_load %arg11[%get3A_382, %get3A_383] {strides = array<i32>} : memref<416x128xf32, #tpu.memory_space<vmem>>, vector<1x16xf32>,
        %get3A_385 = vector.shape_cast %get3A_384 : vector<1x16xf32> to vector<16xf32>
        %add3A_386 = arith.constant 4 : i32
        %add3A_387 = arith.addi %mul3A_142, %add3A_386 : i32
        %get3A_388 = arith.index_cast %add3A_387 : i32 to index
        %get3A_389 = arith.constant 80 : index
        %get3A_390 = tpu.vector_load %arg11[%get3A_388, %get3A_389] {strides = array<i32>} : memref<416x128xf32, #tpu.memory_space<vmem>>, vector<1x16xf32>,
        %get3A_391 = vector.shape_cast %get3A_390 : vector<1x16xf32> to vector<16xf32>
        %convert_element_type3A_392 = arith.sitofp %shift_right_logical3A_367 : vector<16xi32> to vector<16xf32>
        %sub3A_393 = arith.subf %get3A_379, %get3A_373 : vector<16xf32>
        %mul3A_394 = arith.mulf %sub3A_393, %convert_element_type3A_392 : vector<16xf32>
        %add3A_395 = arith.addf %get3A_373, %mul3A_394 : vector<16xf32>
        %sub3A_396 = arith.subf %get3A_391, %get3A_385 : vector<16xf32>
        %mul3A_397 = arith.mulf %sub3A_396, %convert_element_type3A_392 : vector<16xf32>
        %add3A_398 = arith.addf %get3A_385, %mul3A_397 : vector<16xf32>
        %mul3A_399 = arith.mulf %add3A_395, %gather3A_360 : vector<16xf32>
        %mul3A_400 = arith.mulf %add3A_398, %gather3A_360 : vector<16xf32>
        %add3A_401 = arith.addf %add3A_351, %mul3A_399 : vector<16xf32>
        %add3A_402 = arith.addf %add3A_352, %mul3A_400 : vector<16xf32>
        %mul3A_403 = arith.mulf %mul3A_399, %mul3A_399 : vector<16xf32>
        %add3A_404 = arith.addf %add3A_354, %mul3A_403 : vector<16xf32>
        %mul3A_405 = arith.mulf %mul3A_400, %mul3A_400 : vector<16xf32>
        %add3A_406 = arith.addf %add3A_356, %mul3A_405 : vector<16xf32>
        %broadcast_in_dim3A_407 = arith.constant 5 : i32
        %broadcast_in_dim3A_408 = vector.broadcast %broadcast_in_dim3A_407 : i32 to vector<16x1xi32>
        %gather3A_409 = vector.shape_cast %broadcast_in_dim3A_408 : vector<16x1xi32> to vector<16xi32>
        %gather3A_410 = tpu.dynamic_gather %get3A_147[%gather3A_409] in [0] : vector<16xf32>, vector<16xi32> -> vector<16xf32>
        %broadcast_in_dim3A_411 = arith.constant 5 : i32
        %broadcast_in_dim3A_412 = vector.broadcast %broadcast_in_dim3A_411 : i32 to vector<16x1xi32>
        %gather3A_413 = vector.shape_cast %broadcast_in_dim3A_412 : vector<16x1xi32> to vector<16xi32>
        %gather3A_414 = tpu.dynamic_gather %get3A_155[%gather3A_413] in [0] : vector<16xi32>, vector<16xi32> -> vector<16xi32>
        %broadcast_in_dim3A_415 = arith.constant 19 : i32
        %broadcast_in_dim3A_416 = vector.broadcast %broadcast_in_dim3A_415 : i32 to vector<16xi32>
        %shift_right_logical3A_417 = arith.shrui %gather3A_414, %broadcast_in_dim3A_416 : vector<16xi32>
        %add3A_418 = arith.constant 5 : i32
        %add3A_419 = arith.addi %mul3A_142, %add3A_418 : i32
        %get3A_420 = arith.index_cast %add3A_419 : i32 to index
        %get3A_421 = arith.constant 0 : index
        %get3A_422 = tpu.vector_load %arg11[%get3A_420, %get3A_421] {strides = array<i32>} : memref<416x128xf32, #tpu.memory_space<vmem>>, vector<1x16xf32>,
        %get3A_423 = vector.shape_cast %get3A_422 : vector<1x16xf32> to vector<16xf32>
        %add3A_424 = arith.constant 5 : i32
        %add3A_425 = arith.addi %mul3A_142, %add3A_424 : i32
        %get3A_426 = arith.index_cast %add3A_425 : i32 to index
        %get3A_427 = arith.constant 64 : index
        %get3A_428 = tpu.vector_load %arg11[%get3A_426, %get3A_427] {strides = array<i32>} : memref<416x128xf32, #tpu.memory_space<vmem>>, vector<1x16xf32>,
        %get3A_429 = vector.shape_cast %get3A_428 : vector<1x16xf32> to vector<16xf32>
        %add3A_430 = arith.constant 5 : i32
        %add3A_431 = arith.addi %mul3A_142, %add3A_430 : i32
        %get3A_432 = arith.index_cast %add3A_431 : i32 to index
        %get3A_433 = arith.constant 16 : index
        %get3A_434 = tpu.vector_load %arg11[%get3A_432, %get3A_433] {strides = array<i32>} : memref<416x128xf32, #tpu.memory_space<vmem>>, vector<1x16xf32>,
        %get3A_435 = vector.shape_cast %get3A_434 : vector<1x16xf32> to vector<16xf32>
        %add3A_436 = arith.constant 5 : i32
        %add3A_437 = arith.addi %mul3A_142, %add3A_436 : i32
        %get3A_438 = arith.index_cast %add3A_437 : i32 to index
        %get3A_439 = arith.constant 80 : index
        %get3A_440 = tpu.vector_load %arg11[%get3A_438, %get3A_439] {strides = array<i32>} : memref<416x128xf32, #tpu.memory_space<vmem>>, vector<1x16xf32>,
        %get3A_441 = vector.shape_cast %get3A_440 : vector<1x16xf32> to vector<16xf32>
        %convert_element_type3A_442 = arith.sitofp %shift_right_logical3A_417 : vector<16xi32> to vector<16xf32>
        %sub3A_443 = arith.subf %get3A_429, %get3A_423 : vector<16xf32>
        %mul3A_444 = arith.mulf %sub3A_443, %convert_element_type3A_442 : vector<16xf32>
        %add3A_445 = arith.addf %get3A_423, %mul3A_444 : vector<16xf32>
        %sub3A_446 = arith.subf %get3A_441, %get3A_435 : vector<16xf32>
        %mul3A_447 = arith.mulf %sub3A_446, %convert_element_type3A_442 : vector<16xf32>
        %add3A_448 = arith.addf %get3A_435, %mul3A_447 : vector<16xf32>
        %mul3A_449 = arith.mulf %add3A_445, %gather3A_410 : vector<16xf32>
        %mul3A_450 = arith.mulf %add3A_448, %gather3A_410 : vector<16xf32>
        %add3A_451 = arith.addf %add3A_401, %mul3A_449 : vector<16xf32>
        %add3A_452 = arith.addf %add3A_402, %mul3A_450 : vector<16xf32>
        %mul3A_453 = arith.mulf %mul3A_449, %mul3A_449 : vector<16xf32>
        %add3A_454 = arith.addf %add3A_404, %mul3A_453 : vector<16xf32>
        %mul3A_455 = arith.mulf %mul3A_450, %mul3A_450 : vector<16xf32>
        %add3A_456 = arith.addf %add3A_406, %mul3A_455 : vector<16xf32>
        %broadcast_in_dim3A_457 = arith.constant 6 : i32
        %broadcast_in_dim3A_458 = vector.broadcast %broadcast_in_dim3A_457 : i32 to vector<16x1xi32>
        %gather3A_459 = vector.shape_cast %broadcast_in_dim3A_458 : vector<16x1xi32> to vector<16xi32>
        %gather3A_460 = tpu.dynamic_gather %get3A_147[%gather3A_459] in [0] : vector<16xf32>, vector<16xi32> -> vector<16xf32>
        %broadcast_in_dim3A_461 = arith.constant 6 : i32
        %broadcast_in_dim3A_462 = vector.broadcast %broadcast_in_dim3A_461 : i32 to vector<16x1xi32>
        %gather3A_463 = vector.shape_cast %broadcast_in_dim3A_462 : vector<16x1xi32> to vector<16xi32>
        %gather3A_464 = tpu.dynamic_gather %get3A_155[%gather3A_463] in [0] : vector<16xi32>, vector<16xi32> -> vector<16xi32>
        %broadcast_in_dim3A_465 = arith.constant 19 : i32
        %broadcast_in_dim3A_466 = vector.broadcast %broadcast_in_dim3A_465 : i32 to vector<16xi32>
        %shift_right_logical3A_467 = arith.shrui %gather3A_464, %broadcast_in_dim3A_466 : vector<16xi32>
        %add3A_468 = arith.constant 6 : i32
        %add3A_469 = arith.addi %mul3A_142, %add3A_468 : i32
        %get3A_470 = arith.index_cast %add3A_469 : i32 to index
        %get3A_471 = arith.constant 0 : index
        %get3A_472 = tpu.vector_load %arg11[%get3A_470, %get3A_471] {strides = array<i32>} : memref<416x128xf32, #tpu.memory_space<vmem>>, vector<1x16xf32>,
        %get3A_473 = vector.shape_cast %get3A_472 : vector<1x16xf32> to vector<16xf32>
        %add3A_474 = arith.constant 6 : i32
        %add3A_475 = arith.addi %mul3A_142, %add3A_474 : i32
        %get3A_476 = arith.index_cast %add3A_475 : i32 to index
        %get3A_477 = arith.constant 64 : index
        %get3A_478 = tpu.vector_load %arg11[%get3A_476, %get3A_477] {strides = array<i32>} : memref<416x128xf32, #tpu.memory_space<vmem>>, vector<1x16xf32>,
        %get3A_479 = vector.shape_cast %get3A_478 : vector<1x16xf32> to vector<16xf32>
        %add3A_480 = arith.constant 6 : i32
        %add3A_481 = arith.addi %mul3A_142, %add3A_480 : i32
        %get3A_482 = arith.index_cast %add3A_481 : i32 to index
        %get3A_483 = arith.constant 16 : index
        %get3A_484 = tpu.vector_load %arg11[%get3A_482, %get3A_483] {strides = array<i32>} : memref<416x128xf32, #tpu.memory_space<vmem>>, vector<1x16xf32>,
        %get3A_485 = vector.shape_cast %get3A_484 : vector<1x16xf32> to vector<16xf32>
        %add3A_486 = arith.constant 6 : i32
        %add3A_487 = arith.addi %mul3A_142, %add3A_486 : i32
        %get3A_488 = arith.index_cast %add3A_487 : i32 to index
        %get3A_489 = arith.constant 80 : index
        %get3A_490 = tpu.vector_load %arg11[%get3A_488, %get3A_489] {strides = array<i32>} : memref<416x128xf32, #tpu.memory_space<vmem>>, vector<1x16xf32>,
        %get3A_491 = vector.shape_cast %get3A_490 : vector<1x16xf32> to vector<16xf32>
        %convert_element_type3A_492 = arith.sitofp %shift_right_logical3A_467 : vector<16xi32> to vector<16xf32>
        %sub3A_493 = arith.subf %get3A_479, %get3A_473 : vector<16xf32>
        %mul3A_494 = arith.mulf %sub3A_493, %convert_element_type3A_492 : vector<16xf32>
        %add3A_495 = arith.addf %get3A_473, %mul3A_494 : vector<16xf32>
        %sub3A_496 = arith.subf %get3A_491, %get3A_485 : vector<16xf32>
        %mul3A_497 = arith.mulf %sub3A_496, %convert_element_type3A_492 : vector<16xf32>
        %add3A_498 = arith.addf %get3A_485, %mul3A_497 : vector<16xf32>
        %mul3A_499 = arith.mulf %add3A_495, %gather3A_460 : vector<16xf32>
        %mul3A_500 = arith.mulf %add3A_498, %gather3A_460 : vector<16xf32>
        %add3A_501 = arith.addf %add3A_451, %mul3A_499 : vector<16xf32>
        %add3A_502 = arith.addf %add3A_452, %mul3A_500 : vector<16xf32>
        %mul3A_503 = arith.mulf %mul3A_499, %mul3A_499 : vector<16xf32>
        %add3A_504 = arith.addf %add3A_454, %mul3A_503 : vector<16xf32>
        %mul3A_505 = arith.mulf %mul3A_500, %mul3A_500 : vector<16xf32>
        %add3A_506 = arith.addf %add3A_456, %mul3A_505 : vector<16xf32>
        %broadcast_in_dim3A_507 = arith.constant 7 : i32
        %broadcast_in_dim3A_508 = vector.broadcast %broadcast_in_dim3A_507 : i32 to vector<16x1xi32>
        %gather3A_509 = vector.shape_cast %broadcast_in_dim3A_508 : vector<16x1xi32> to vector<16xi32>
        %gather3A_510 = tpu.dynamic_gather %get3A_147[%gather3A_509] in [0] : vector<16xf32>, vector<16xi32> -> vector<16xf32>
        %broadcast_in_dim3A_511 = arith.constant 7 : i32
        %broadcast_in_dim3A_512 = vector.broadcast %broadcast_in_dim3A_511 : i32 to vector<16x1xi32>
        %gather3A_513 = vector.shape_cast %broadcast_in_dim3A_512 : vector<16x1xi32> to vector<16xi32>
        %gather3A_514 = tpu.dynamic_gather %get3A_155[%gather3A_513] in [0] : vector<16xi32>, vector<16xi32> -> vector<16xi32>
        %broadcast_in_dim3A_515 = arith.constant 19 : i32
        %broadcast_in_dim3A_516 = vector.broadcast %broadcast_in_dim3A_515 : i32 to vector<16xi32>
        %shift_right_logical3A_517 = arith.shrui %gather3A_514, %broadcast_in_dim3A_516 : vector<16xi32>
        %add3A_518 = arith.constant 7 : i32
        %add3A_519 = arith.addi %mul3A_142, %add3A_518 : i32
        %get3A_520 = arith.index_cast %add3A_519 : i32 to index
        %get3A_521 = arith.constant 0 : index
        %get3A_522 = tpu.vector_load %arg11[%get3A_520, %get3A_521] {strides = array<i32>} : memref<416x128xf32, #tpu.memory_space<vmem>>, vector<1x16xf32>,
        %get3A_523 = vector.shape_cast %get3A_522 : vector<1x16xf32> to vector<16xf32>
        %add3A_524 = arith.constant 7 : i32
        %add3A_525 = arith.addi %mul3A_142, %add3A_524 : i32
        %get3A_526 = arith.index_cast %add3A_525 : i32 to index
        %get3A_527 = arith.constant 64 : index
        %get3A_528 = tpu.vector_load %arg11[%get3A_526, %get3A_527] {strides = array<i32>} : memref<416x128xf32, #tpu.memory_space<vmem>>, vector<1x16xf32>,
        %get3A_529 = vector.shape_cast %get3A_528 : vector<1x16xf32> to vector<16xf32>
        %add3A_530 = arith.constant 7 : i32
        %add3A_531 = arith.addi %mul3A_142, %add3A_530 : i32
        %get3A_532 = arith.index_cast %add3A_531 : i32 to index
        %get3A_533 = arith.constant 16 : index
        %get3A_534 = tpu.vector_load %arg11[%get3A_532, %get3A_533] {strides = array<i32>} : memref<416x128xf32, #tpu.memory_space<vmem>>, vector<1x16xf32>,
        %get3A_535 = vector.shape_cast %get3A_534 : vector<1x16xf32> to vector<16xf32>
        %add3A_536 = arith.constant 7 : i32
        %add3A_537 = arith.addi %mul3A_142, %add3A_536 : i32
        %get3A_538 = arith.index_cast %add3A_537 : i32 to index
        %get3A_539 = arith.constant 80 : index
        %get3A_540 = tpu.vector_load %arg11[%get3A_538, %get3A_539] {strides = array<i32>} : memref<416x128xf32, #tpu.memory_space<vmem>>, vector<1x16xf32>,
        %get3A_541 = vector.shape_cast %get3A_540 : vector<1x16xf32> to vector<16xf32>
        %convert_element_type3A_542 = arith.sitofp %shift_right_logical3A_517 : vector<16xi32> to vector<16xf32>
        %sub3A_543 = arith.subf %get3A_529, %get3A_523 : vector<16xf32>
        %mul3A_544 = arith.mulf %sub3A_543, %convert_element_type3A_542 : vector<16xf32>
        %add3A_545 = arith.addf %get3A_523, %mul3A_544 : vector<16xf32>
        %sub3A_546 = arith.subf %get3A_541, %get3A_535 : vector<16xf32>
        %mul3A_547 = arith.mulf %sub3A_546, %convert_element_type3A_542 : vector<16xf32>
        %add3A_548 = arith.addf %get3A_535, %mul3A_547 : vector<16xf32>
        %mul3A_549 = arith.mulf %add3A_545, %gather3A_510 : vector<16xf32>
        %mul3A_550 = arith.mulf %add3A_548, %gather3A_510 : vector<16xf32>
        %add3A_551 = arith.addf %add3A_501, %mul3A_549 : vector<16xf32>
        %add3A_552 = arith.addf %add3A_502, %mul3A_550 : vector<16xf32>
        %mul3A_553 = arith.mulf %mul3A_549, %mul3A_549 : vector<16xf32>
        %add3A_554 = arith.addf %add3A_504, %mul3A_553 : vector<16xf32>
        %mul3A_555 = arith.mulf %mul3A_550, %mul3A_550 : vector<16xf32>
        %add3A_556 = arith.addf %add3A_506, %mul3A_555 : vector<16xf32>
        %broadcast_in_dim3A_557 = arith.constant 8 : i32
        %broadcast_in_dim3A_558 = vector.broadcast %broadcast_in_dim3A_557 : i32 to vector<16x1xi32>
        %gather3A_559 = vector.shape_cast %broadcast_in_dim3A_558 : vector<16x1xi32> to vector<16xi32>
        %gather3A_560 = tpu.dynamic_gather %get3A_147[%gather3A_559] in [0] : vector<16xf32>, vector<16xi32> -> vector<16xf32>
        %broadcast_in_dim3A_561 = arith.constant 8 : i32
        %broadcast_in_dim3A_562 = vector.broadcast %broadcast_in_dim3A_561 : i32 to vector<16x1xi32>
        %gather3A_563 = vector.shape_cast %broadcast_in_dim3A_562 : vector<16x1xi32> to vector<16xi32>
        %gather3A_564 = tpu.dynamic_gather %get3A_155[%gather3A_563] in [0] : vector<16xi32>, vector<16xi32> -> vector<16xi32>
        %broadcast_in_dim3A_565 = arith.constant 19 : i32
        %broadcast_in_dim3A_566 = vector.broadcast %broadcast_in_dim3A_565 : i32 to vector<16xi32>
        %shift_right_logical3A_567 = arith.shrui %gather3A_564, %broadcast_in_dim3A_566 : vector<16xi32>
        %add3A_568 = arith.constant 8 : i32
        %add3A_569 = arith.addi %mul3A_142, %add3A_568 : i32
        %get3A_570 = arith.index_cast %add3A_569 : i32 to index
        %get3A_571 = arith.constant 0 : index
        %get3A_572 = tpu.vector_load %arg11[%get3A_570, %get3A_571] {strides = array<i32>} : memref<416x128xf32, #tpu.memory_space<vmem>>, vector<1x16xf32>,
        %get3A_573 = vector.shape_cast %get3A_572 : vector<1x16xf32> to vector<16xf32>
        %add3A_574 = arith.constant 8 : i32
        %add3A_575 = arith.addi %mul3A_142, %add3A_574 : i32
        %get3A_576 = arith.index_cast %add3A_575 : i32 to index
        %get3A_577 = arith.constant 64 : index
        %get3A_578 = tpu.vector_load %arg11[%get3A_576, %get3A_577] {strides = array<i32>} : memref<416x128xf32, #tpu.memory_space<vmem>>, vector<1x16xf32>,
        %get3A_579 = vector.shape_cast %get3A_578 : vector<1x16xf32> to vector<16xf32>
        %add3A_580 = arith.constant 8 : i32
        %add3A_581 = arith.addi %mul3A_142, %add3A_580 : i32
        %get3A_582 = arith.index_cast %add3A_581 : i32 to index
        %get3A_583 = arith.constant 16 : index
        %get3A_584 = tpu.vector_load %arg11[%get3A_582, %get3A_583] {strides = array<i32>} : memref<416x128xf32, #tpu.memory_space<vmem>>, vector<1x16xf32>,
        %get3A_585 = vector.shape_cast %get3A_584 : vector<1x16xf32> to vector<16xf32>
        %add3A_586 = arith.constant 8 : i32
        %add3A_587 = arith.addi %mul3A_142, %add3A_586 : i32
        %get3A_588 = arith.index_cast %add3A_587 : i32 to index
        %get3A_589 = arith.constant 80 : index
        %get3A_590 = tpu.vector_load %arg11[%get3A_588, %get3A_589] {strides = array<i32>} : memref<416x128xf32, #tpu.memory_space<vmem>>, vector<1x16xf32>,
        %get3A_591 = vector.shape_cast %get3A_590 : vector<1x16xf32> to vector<16xf32>
        %convert_element_type3A_592 = arith.sitofp %shift_right_logical3A_567 : vector<16xi32> to vector<16xf32>
        %sub3A_593 = arith.subf %get3A_579, %get3A_573 : vector<16xf32>
        %mul3A_594 = arith.mulf %sub3A_593, %convert_element_type3A_592 : vector<16xf32>
        %add3A_595 = arith.addf %get3A_573, %mul3A_594 : vector<16xf32>
        %sub3A_596 = arith.subf %get3A_591, %get3A_585 : vector<16xf32>
        %mul3A_597 = arith.mulf %sub3A_596, %convert_element_type3A_592 : vector<16xf32>
        %add3A_598 = arith.addf %get3A_585, %mul3A_597 : vector<16xf32>
        %mul3A_599 = arith.mulf %add3A_595, %gather3A_560 : vector<16xf32>
        %mul3A_600 = arith.mulf %add3A_598, %gather3A_560 : vector<16xf32>
        %add3A_601 = arith.addf %add3A_551, %mul3A_599 : vector<16xf32>
        %add3A_602 = arith.addf %add3A_552, %mul3A_600 : vector<16xf32>
        %mul3A_603 = arith.mulf %mul3A_599, %mul3A_599 : vector<16xf32>
        %add3A_604 = arith.addf %add3A_554, %mul3A_603 : vector<16xf32>
        %mul3A_605 = arith.mulf %mul3A_600, %mul3A_600 : vector<16xf32>
        %add3A_606 = arith.addf %add3A_556, %mul3A_605 : vector<16xf32>
        %broadcast_in_dim3A_607 = arith.constant 9 : i32
        %broadcast_in_dim3A_608 = vector.broadcast %broadcast_in_dim3A_607 : i32 to vector<16x1xi32>
        %gather3A_609 = vector.shape_cast %broadcast_in_dim3A_608 : vector<16x1xi32> to vector<16xi32>
        %gather3A_610 = tpu.dynamic_gather %get3A_147[%gather3A_609] in [0] : vector<16xf32>, vector<16xi32> -> vector<16xf32>
        %broadcast_in_dim3A_611 = arith.constant 9 : i32
        %broadcast_in_dim3A_612 = vector.broadcast %broadcast_in_dim3A_611 : i32 to vector<16x1xi32>
        %gather3A_613 = vector.shape_cast %broadcast_in_dim3A_612 : vector<16x1xi32> to vector<16xi32>
        %gather3A_614 = tpu.dynamic_gather %get3A_155[%gather3A_613] in [0] : vector<16xi32>, vector<16xi32> -> vector<16xi32>
        %broadcast_in_dim3A_615 = arith.constant 19 : i32
        %broadcast_in_dim3A_616 = vector.broadcast %broadcast_in_dim3A_615 : i32 to vector<16xi32>
        %shift_right_logical3A_617 = arith.shrui %gather3A_614, %broadcast_in_dim3A_616 : vector<16xi32>
        %add3A_618 = arith.constant 9 : i32
        %add3A_619 = arith.addi %mul3A_142, %add3A_618 : i32
        %get3A_620 = arith.index_cast %add3A_619 : i32 to index
        %get3A_621 = arith.constant 0 : index
        %get3A_622 = tpu.vector_load %arg11[%get3A_620, %get3A_621] {strides = array<i32>} : memref<416x128xf32, #tpu.memory_space<vmem>>, vector<1x16xf32>,
        %get3A_623 = vector.shape_cast %get3A_622 : vector<1x16xf32> to vector<16xf32>
        %add3A_624 = arith.constant 9 : i32
        %add3A_625 = arith.addi %mul3A_142, %add3A_624 : i32
        %get3A_626 = arith.index_cast %add3A_625 : i32 to index
        %get3A_627 = arith.constant 64 : index
        %get3A_628 = tpu.vector_load %arg11[%get3A_626, %get3A_627] {strides = array<i32>} : memref<416x128xf32, #tpu.memory_space<vmem>>, vector<1x16xf32>,
        %get3A_629 = vector.shape_cast %get3A_628 : vector<1x16xf32> to vector<16xf32>
        %add3A_630 = arith.constant 9 : i32
        %add3A_631 = arith.addi %mul3A_142, %add3A_630 : i32
        %get3A_632 = arith.index_cast %add3A_631 : i32 to index
        %get3A_633 = arith.constant 16 : index
        %get3A_634 = tpu.vector_load %arg11[%get3A_632, %get3A_633] {strides = array<i32>} : memref<416x128xf32, #tpu.memory_space<vmem>>, vector<1x16xf32>,
        %get3A_635 = vector.shape_cast %get3A_634 : vector<1x16xf32> to vector<16xf32>
        %add3A_636 = arith.constant 9 : i32
        %add3A_637 = arith.addi %mul3A_142, %add3A_636 : i32
        %get3A_638 = arith.index_cast %add3A_637 : i32 to index
        %get3A_639 = arith.constant 80 : index
        %get3A_640 = tpu.vector_load %arg11[%get3A_638, %get3A_639] {strides = array<i32>} : memref<416x128xf32, #tpu.memory_space<vmem>>, vector<1x16xf32>,
        %get3A_641 = vector.shape_cast %get3A_640 : vector<1x16xf32> to vector<16xf32>
        %convert_element_type3A_642 = arith.sitofp %shift_right_logical3A_617 : vector<16xi32> to vector<16xf32>
        %sub3A_643 = arith.subf %get3A_629, %get3A_623 : vector<16xf32>
        %mul3A_644 = arith.mulf %sub3A_643, %convert_element_type3A_642 : vector<16xf32>
        %add3A_645 = arith.addf %get3A_623, %mul3A_644 : vector<16xf32>
        %sub3A_646 = arith.subf %get3A_641, %get3A_635 : vector<16xf32>
        %mul3A_647 = arith.mulf %sub3A_646, %convert_element_type3A_642 : vector<16xf32>
        %add3A_648 = arith.addf %get3A_635, %mul3A_647 : vector<16xf32>
        %mul3A_649 = arith.mulf %add3A_645, %gather3A_610 : vector<16xf32>
        %mul3A_650 = arith.mulf %add3A_648, %gather3A_610 : vector<16xf32>
        %add3A_651 = arith.addf %add3A_601, %mul3A_649 : vector<16xf32>
        %add3A_652 = arith.addf %add3A_602, %mul3A_650 : vector<16xf32>
        %mul3A_653 = arith.mulf %mul3A_649, %mul3A_649 : vector<16xf32>
        %add3A_654 = arith.addf %add3A_604, %mul3A_653 : vector<16xf32>
        %mul3A_655 = arith.mulf %mul3A_650, %mul3A_650 : vector<16xf32>
        %add3A_656 = arith.addf %add3A_606, %mul3A_655 : vector<16xf32>
        %broadcast_in_dim3A_657 = arith.constant 10 : i32
        %broadcast_in_dim3A_658 = vector.broadcast %broadcast_in_dim3A_657 : i32 to vector<16x1xi32>
        %gather3A_659 = vector.shape_cast %broadcast_in_dim3A_658 : vector<16x1xi32> to vector<16xi32>
        %gather3A_660 = tpu.dynamic_gather %get3A_147[%gather3A_659] in [0] : vector<16xf32>, vector<16xi32> -> vector<16xf32>
        %broadcast_in_dim3A_661 = arith.constant 10 : i32
        %broadcast_in_dim3A_662 = vector.broadcast %broadcast_in_dim3A_661 : i32 to vector<16x1xi32>
        %gather3A_663 = vector.shape_cast %broadcast_in_dim3A_662 : vector<16x1xi32> to vector<16xi32>
        %gather3A_664 = tpu.dynamic_gather %get3A_155[%gather3A_663] in [0] : vector<16xi32>, vector<16xi32> -> vector<16xi32>
        %broadcast_in_dim3A_665 = arith.constant 19 : i32
        %broadcast_in_dim3A_666 = vector.broadcast %broadcast_in_dim3A_665 : i32 to vector<16xi32>
        %shift_right_logical3A_667 = arith.shrui %gather3A_664, %broadcast_in_dim3A_666 : vector<16xi32>
        %add3A_668 = arith.constant 10 : i32
        %add3A_669 = arith.addi %mul3A_142, %add3A_668 : i32
        %get3A_670 = arith.index_cast %add3A_669 : i32 to index
        %get3A_671 = arith.constant 0 : index
        %get3A_672 = tpu.vector_load %arg11[%get3A_670, %get3A_671] {strides = array<i32>} : memref<416x128xf32, #tpu.memory_space<vmem>>, vector<1x16xf32>,
        %get3A_673 = vector.shape_cast %get3A_672 : vector<1x16xf32> to vector<16xf32>
        %add3A_674 = arith.constant 10 : i32
        %add3A_675 = arith.addi %mul3A_142, %add3A_674 : i32
        %get3A_676 = arith.index_cast %add3A_675 : i32 to index
        %get3A_677 = arith.constant 64 : index
        %get3A_678 = tpu.vector_load %arg11[%get3A_676, %get3A_677] {strides = array<i32>} : memref<416x128xf32, #tpu.memory_space<vmem>>, vector<1x16xf32>,
        %get3A_679 = vector.shape_cast %get3A_678 : vector<1x16xf32> to vector<16xf32>
        %add3A_680 = arith.constant 10 : i32
        %add3A_681 = arith.addi %mul3A_142, %add3A_680 : i32
        %get3A_682 = arith.index_cast %add3A_681 : i32 to index
        %get3A_683 = arith.constant 16 : index
        %get3A_684 = tpu.vector_load %arg11[%get3A_682, %get3A_683] {strides = array<i32>} : memref<416x128xf32, #tpu.memory_space<vmem>>, vector<1x16xf32>,
        %get3A_685 = vector.shape_cast %get3A_684 : vector<1x16xf32> to vector<16xf32>
        %add3A_686 = arith.constant 10 : i32
        %add3A_687 = arith.addi %mul3A_142, %add3A_686 : i32
        %get3A_688 = arith.index_cast %add3A_687 : i32 to index
        %get3A_689 = arith.constant 80 : index
        %get3A_690 = tpu.vector_load %arg11[%get3A_688, %get3A_689] {strides = array<i32>} : memref<416x128xf32, #tpu.memory_space<vmem>>, vector<1x16xf32>,
        %get3A_691 = vector.shape_cast %get3A_690 : vector<1x16xf32> to vector<16xf32>
        %convert_element_type3A_692 = arith.sitofp %shift_right_logical3A_667 : vector<16xi32> to vector<16xf32>
        %sub3A_693 = arith.subf %get3A_679, %get3A_673 : vector<16xf32>
        %mul3A_694 = arith.mulf %sub3A_693, %convert_element_type3A_692 : vector<16xf32>
        %add3A_695 = arith.addf %get3A_673, %mul3A_694 : vector<16xf32>
        %sub3A_696 = arith.subf %get3A_691, %get3A_685 : vector<16xf32>
        %mul3A_697 = arith.mulf %sub3A_696, %convert_element_type3A_692 : vector<16xf32>
        %add3A_698 = arith.addf %get3A_685, %mul3A_697 : vector<16xf32>
        %mul3A_699 = arith.mulf %add3A_695, %gather3A_660 : vector<16xf32>
        %mul3A_700 = arith.mulf %add3A_698, %gather3A_660 : vector<16xf32>
        %add3A_701 = arith.addf %add3A_651, %mul3A_699 : vector<16xf32>
        %add3A_702 = arith.addf %add3A_652, %mul3A_700 : vector<16xf32>
        %mul3A_703 = arith.mulf %mul3A_699, %mul3A_699 : vector<16xf32>
        %add3A_704 = arith.addf %add3A_654, %mul3A_703 : vector<16xf32>
        %mul3A_705 = arith.mulf %mul3A_700, %mul3A_700 : vector<16xf32>
        %add3A_706 = arith.addf %add3A_656, %mul3A_705 : vector<16xf32>
        %broadcast_in_dim3A_707 = arith.constant 11 : i32
        %broadcast_in_dim3A_708 = vector.broadcast %broadcast_in_dim3A_707 : i32 to vector<16x1xi32>
        %gather3A_709 = vector.shape_cast %broadcast_in_dim3A_708 : vector<16x1xi32> to vector<16xi32>
        %gather3A_710 = tpu.dynamic_gather %get3A_147[%gather3A_709] in [0] : vector<16xf32>, vector<16xi32> -> vector<16xf32>
        %broadcast_in_dim3A_711 = arith.constant 11 : i32
        %broadcast_in_dim3A_712 = vector.broadcast %broadcast_in_dim3A_711 : i32 to vector<16x1xi32>
        %gather3A_713 = vector.shape_cast %broadcast_in_dim3A_712 : vector<16x1xi32> to vector<16xi32>
        %gather3A_714 = tpu.dynamic_gather %get3A_155[%gather3A_713] in [0] : vector<16xi32>, vector<16xi32> -> vector<16xi32>
        %broadcast_in_dim3A_715 = arith.constant 19 : i32
        %broadcast_in_dim3A_716 = vector.broadcast %broadcast_in_dim3A_715 : i32 to vector<16xi32>
        %shift_right_logical3A_717 = arith.shrui %gather3A_714, %broadcast_in_dim3A_716 : vector<16xi32>
        %add3A_718 = arith.constant 11 : i32
        %add3A_719 = arith.addi %mul3A_142, %add3A_718 : i32
        %get3A_720 = arith.index_cast %add3A_719 : i32 to index
        %get3A_721 = arith.constant 0 : index
        %get3A_722 = tpu.vector_load %arg11[%get3A_720, %get3A_721] {strides = array<i32>} : memref<416x128xf32, #tpu.memory_space<vmem>>, vector<1x16xf32>,
        %get3A_723 = vector.shape_cast %get3A_722 : vector<1x16xf32> to vector<16xf32>
        %add3A_724 = arith.constant 11 : i32
        %add3A_725 = arith.addi %mul3A_142, %add3A_724 : i32
        %get3A_726 = arith.index_cast %add3A_725 : i32 to index
        %get3A_727 = arith.constant 64 : index
        %get3A_728 = tpu.vector_load %arg11[%get3A_726, %get3A_727] {strides = array<i32>} : memref<416x128xf32, #tpu.memory_space<vmem>>, vector<1x16xf32>,
        %get3A_729 = vector.shape_cast %get3A_728 : vector<1x16xf32> to vector<16xf32>
        %add3A_730 = arith.constant 11 : i32
        %add3A_731 = arith.addi %mul3A_142, %add3A_730 : i32
        %get3A_732 = arith.index_cast %add3A_731 : i32 to index
        %get3A_733 = arith.constant 16 : index
        %get3A_734 = tpu.vector_load %arg11[%get3A_732, %get3A_733] {strides = array<i32>} : memref<416x128xf32, #tpu.memory_space<vmem>>, vector<1x16xf32>,
        %get3A_735 = vector.shape_cast %get3A_734 : vector<1x16xf32> to vector<16xf32>
        %add3A_736 = arith.constant 11 : i32
        %add3A_737 = arith.addi %mul3A_142, %add3A_736 : i32
        %get3A_738 = arith.index_cast %add3A_737 : i32 to index
        %get3A_739 = arith.constant 80 : index
        %get3A_740 = tpu.vector_load %arg11[%get3A_738, %get3A_739] {strides = array<i32>} : memref<416x128xf32, #tpu.memory_space<vmem>>, vector<1x16xf32>,
        %get3A_741 = vector.shape_cast %get3A_740 : vector<1x16xf32> to vector<16xf32>
        %convert_element_type3A_742 = arith.sitofp %shift_right_logical3A_717 : vector<16xi32> to vector<16xf32>
        %sub3A_743 = arith.subf %get3A_729, %get3A_723 : vector<16xf32>
        %mul3A_744 = arith.mulf %sub3A_743, %convert_element_type3A_742 : vector<16xf32>
        %add3A_745 = arith.addf %get3A_723, %mul3A_744 : vector<16xf32>
        %sub3A_746 = arith.subf %get3A_741, %get3A_735 : vector<16xf32>
        %mul3A_747 = arith.mulf %sub3A_746, %convert_element_type3A_742 : vector<16xf32>
        %add3A_748 = arith.addf %get3A_735, %mul3A_747 : vector<16xf32>
        %mul3A_749 = arith.mulf %add3A_745, %gather3A_710 : vector<16xf32>
        %mul3A_750 = arith.mulf %add3A_748, %gather3A_710 : vector<16xf32>
        %add3A_751 = arith.addf %add3A_701, %mul3A_749 : vector<16xf32>
        %add3A_752 = arith.addf %add3A_702, %mul3A_750 : vector<16xf32>
        %mul3A_753 = arith.mulf %mul3A_749, %mul3A_749 : vector<16xf32>
        %add3A_754 = arith.addf %add3A_704, %mul3A_753 : vector<16xf32>
        %mul3A_755 = arith.mulf %mul3A_750, %mul3A_750 : vector<16xf32>
        %add3A_756 = arith.addf %add3A_706, %mul3A_755 : vector<16xf32>
        %broadcast_in_dim3A_757 = arith.constant 12 : i32
        %broadcast_in_dim3A_758 = vector.broadcast %broadcast_in_dim3A_757 : i32 to vector<16x1xi32>
        %gather3A_759 = vector.shape_cast %broadcast_in_dim3A_758 : vector<16x1xi32> to vector<16xi32>
        %gather3A_760 = tpu.dynamic_gather %get3A_147[%gather3A_759] in [0] : vector<16xf32>, vector<16xi32> -> vector<16xf32>
        %broadcast_in_dim3A_761 = arith.constant 12 : i32
        %broadcast_in_dim3A_762 = vector.broadcast %broadcast_in_dim3A_761 : i32 to vector<16x1xi32>
        %gather3A_763 = vector.shape_cast %broadcast_in_dim3A_762 : vector<16x1xi32> to vector<16xi32>
        %gather3A_764 = tpu.dynamic_gather %get3A_155[%gather3A_763] in [0] : vector<16xi32>, vector<16xi32> -> vector<16xi32>
        %broadcast_in_dim3A_765 = arith.constant 19 : i32
        %broadcast_in_dim3A_766 = vector.broadcast %broadcast_in_dim3A_765 : i32 to vector<16xi32>
        %shift_right_logical3A_767 = arith.shrui %gather3A_764, %broadcast_in_dim3A_766 : vector<16xi32>
        %add3A_768 = arith.constant 12 : i32
        %add3A_769 = arith.addi %mul3A_142, %add3A_768 : i32
        %get3A_770 = arith.index_cast %add3A_769 : i32 to index
        %get3A_771 = arith.constant 0 : index
        %get3A_772 = tpu.vector_load %arg11[%get3A_770, %get3A_771] {strides = array<i32>} : memref<416x128xf32, #tpu.memory_space<vmem>>, vector<1x16xf32>,
        %get3A_773 = vector.shape_cast %get3A_772 : vector<1x16xf32> to vector<16xf32>
        %add3A_774 = arith.constant 12 : i32
        %add3A_775 = arith.addi %mul3A_142, %add3A_774 : i32
        %get3A_776 = arith.index_cast %add3A_775 : i32 to index
        %get3A_777 = arith.constant 64 : index
        %get3A_778 = tpu.vector_load %arg11[%get3A_776, %get3A_777] {strides = array<i32>} : memref<416x128xf32, #tpu.memory_space<vmem>>, vector<1x16xf32>,
        %get3A_779 = vector.shape_cast %get3A_778 : vector<1x16xf32> to vector<16xf32>
        %add3A_780 = arith.constant 12 : i32
        %add3A_781 = arith.addi %mul3A_142, %add3A_780 : i32
        %get3A_782 = arith.index_cast %add3A_781 : i32 to index
        %get3A_783 = arith.constant 16 : index
        %get3A_784 = tpu.vector_load %arg11[%get3A_782, %get3A_783] {strides = array<i32>} : memref<416x128xf32, #tpu.memory_space<vmem>>, vector<1x16xf32>,
        %get3A_785 = vector.shape_cast %get3A_784 : vector<1x16xf32> to vector<16xf32>
        %add3A_786 = arith.constant 12 : i32
        %add3A_787 = arith.addi %mul3A_142, %add3A_786 : i32
        %get3A_788 = arith.index_cast %add3A_787 : i32 to index
        %get3A_789 = arith.constant 80 : index
        %get3A_790 = tpu.vector_load %arg11[%get3A_788, %get3A_789] {strides = array<i32>} : memref<416x128xf32, #tpu.memory_space<vmem>>, vector<1x16xf32>,
        %get3A_791 = vector.shape_cast %get3A_790 : vector<1x16xf32> to vector<16xf32>
        %convert_element_type3A_792 = arith.sitofp %shift_right_logical3A_767 : vector<16xi32> to vector<16xf32>
        %sub3A_793 = arith.subf %get3A_779, %get3A_773 : vector<16xf32>
        %mul3A_794 = arith.mulf %sub3A_793, %convert_element_type3A_792 : vector<16xf32>
        %add3A_795 = arith.addf %get3A_773, %mul3A_794 : vector<16xf32>
        %sub3A_796 = arith.subf %get3A_791, %get3A_785 : vector<16xf32>
        %mul3A_797 = arith.mulf %sub3A_796, %convert_element_type3A_792 : vector<16xf32>
        %add3A_798 = arith.addf %get3A_785, %mul3A_797 : vector<16xf32>
        %mul3A_799 = arith.mulf %add3A_795, %gather3A_760 : vector<16xf32>
        %mul3A_800 = arith.mulf %add3A_798, %gather3A_760 : vector<16xf32>
        %add3A_801 = arith.addf %add3A_751, %mul3A_799 : vector<16xf32>
        %add3A_802 = arith.addf %add3A_752, %mul3A_800 : vector<16xf32>
        %mul3A_803 = arith.mulf %mul3A_799, %mul3A_799 : vector<16xf32>
        %add3A_804 = arith.addf %add3A_754, %mul3A_803 : vector<16xf32>
        %mul3A_805 = arith.mulf %mul3A_800, %mul3A_800 : vector<16xf32>
        %add3A_806 = arith.addf %add3A_756, %mul3A_805 : vector<16xf32>
        %broadcast_in_dim3A_807 = arith.constant 13 : i32
        %broadcast_in_dim3A_808 = vector.broadcast %broadcast_in_dim3A_807 : i32 to vector<16x1xi32>
        %gather3A_809 = vector.shape_cast %broadcast_in_dim3A_808 : vector<16x1xi32> to vector<16xi32>
        %gather3A_810 = tpu.dynamic_gather %get3A_147[%gather3A_809] in [0] : vector<16xf32>, vector<16xi32> -> vector<16xf32>
        %broadcast_in_dim3A_811 = arith.constant 13 : i32
        %broadcast_in_dim3A_812 = vector.broadcast %broadcast_in_dim3A_811 : i32 to vector<16x1xi32>
        %gather3A_813 = vector.shape_cast %broadcast_in_dim3A_812 : vector<16x1xi32> to vector<16xi32>
        %gather3A_814 = tpu.dynamic_gather %get3A_155[%gather3A_813] in [0] : vector<16xi32>, vector<16xi32> -> vector<16xi32>
        %broadcast_in_dim3A_815 = arith.constant 19 : i32
        %broadcast_in_dim3A_816 = vector.broadcast %broadcast_in_dim3A_815 : i32 to vector<16xi32>
        %shift_right_logical3A_817 = arith.shrui %gather3A_814, %broadcast_in_dim3A_816 : vector<16xi32>
        %add3A_818 = arith.constant 13 : i32
        %add3A_819 = arith.addi %mul3A_142, %add3A_818 : i32
        %get3A_820 = arith.index_cast %add3A_819 : i32 to index
        %get3A_821 = arith.constant 0 : index
        %get3A_822 = tpu.vector_load %arg11[%get3A_820, %get3A_821] {strides = array<i32>} : memref<416x128xf32, #tpu.memory_space<vmem>>, vector<1x16xf32>,
        %get3A_823 = vector.shape_cast %get3A_822 : vector<1x16xf32> to vector<16xf32>
        %add3A_824 = arith.constant 13 : i32
        %add3A_825 = arith.addi %mul3A_142, %add3A_824 : i32
        %get3A_826 = arith.index_cast %add3A_825 : i32 to index
        %get3A_827 = arith.constant 64 : index
        %get3A_828 = tpu.vector_load %arg11[%get3A_826, %get3A_827] {strides = array<i32>} : memref<416x128xf32, #tpu.memory_space<vmem>>, vector<1x16xf32>,
        %get3A_829 = vector.shape_cast %get3A_828 : vector<1x16xf32> to vector<16xf32>
        %add3A_830 = arith.constant 13 : i32
        %add3A_831 = arith.addi %mul3A_142, %add3A_830 : i32
        %get3A_832 = arith.index_cast %add3A_831 : i32 to index
        %get3A_833 = arith.constant 16 : index
        %get3A_834 = tpu.vector_load %arg11[%get3A_832, %get3A_833] {strides = array<i32>} : memref<416x128xf32, #tpu.memory_space<vmem>>, vector<1x16xf32>,
        %get3A_835 = vector.shape_cast %get3A_834 : vector<1x16xf32> to vector<16xf32>
        %add3A_836 = arith.constant 13 : i32
        %add3A_837 = arith.addi %mul3A_142, %add3A_836 : i32
        %get3A_838 = arith.index_cast %add3A_837 : i32 to index
        %get3A_839 = arith.constant 80 : index
        %get3A_840 = tpu.vector_load %arg11[%get3A_838, %get3A_839] {strides = array<i32>} : memref<416x128xf32, #tpu.memory_space<vmem>>, vector<1x16xf32>,
        %get3A_841 = vector.shape_cast %get3A_840 : vector<1x16xf32> to vector<16xf32>
        %convert_element_type3A_842 = arith.sitofp %shift_right_logical3A_817 : vector<16xi32> to vector<16xf32>
        %sub3A_843 = arith.subf %get3A_829, %get3A_823 : vector<16xf32>
        %mul3A_844 = arith.mulf %sub3A_843, %convert_element_type3A_842 : vector<16xf32>
        %add3A_845 = arith.addf %get3A_823, %mul3A_844 : vector<16xf32>
        %sub3A_846 = arith.subf %get3A_841, %get3A_835 : vector<16xf32>
        %mul3A_847 = arith.mulf %sub3A_846, %convert_element_type3A_842 : vector<16xf32>
        %add3A_848 = arith.addf %get3A_835, %mul3A_847 : vector<16xf32>
        %mul3A_849 = arith.mulf %add3A_845, %gather3A_810 : vector<16xf32>
        %mul3A_850 = arith.mulf %add3A_848, %gather3A_810 : vector<16xf32>
        %add3A_851 = arith.addf %add3A_801, %mul3A_849 : vector<16xf32>
        %add3A_852 = arith.addf %add3A_802, %mul3A_850 : vector<16xf32>
        %mul3A_853 = arith.mulf %mul3A_849, %mul3A_849 : vector<16xf32>
        %add3A_854 = arith.addf %add3A_804, %mul3A_853 : vector<16xf32>
        %mul3A_855 = arith.mulf %mul3A_850, %mul3A_850 : vector<16xf32>
        %add3A_856 = arith.addf %add3A_806, %mul3A_855 : vector<16xf32>
        %broadcast_in_dim3A_857 = arith.constant 14 : i32
        %broadcast_in_dim3A_858 = vector.broadcast %broadcast_in_dim3A_857 : i32 to vector<16x1xi32>
        %gather3A_859 = vector.shape_cast %broadcast_in_dim3A_858 : vector<16x1xi32> to vector<16xi32>
        %gather3A_860 = tpu.dynamic_gather %get3A_147[%gather3A_859] in [0] : vector<16xf32>, vector<16xi32> -> vector<16xf32>
        %broadcast_in_dim3A_861 = arith.constant 14 : i32
        %broadcast_in_dim3A_862 = vector.broadcast %broadcast_in_dim3A_861 : i32 to vector<16x1xi32>
        %gather3A_863 = vector.shape_cast %broadcast_in_dim3A_862 : vector<16x1xi32> to vector<16xi32>
        %gather3A_864 = tpu.dynamic_gather %get3A_155[%gather3A_863] in [0] : vector<16xi32>, vector<16xi32> -> vector<16xi32>
        %broadcast_in_dim3A_865 = arith.constant 19 : i32
        %broadcast_in_dim3A_866 = vector.broadcast %broadcast_in_dim3A_865 : i32 to vector<16xi32>
        %shift_right_logical3A_867 = arith.shrui %gather3A_864, %broadcast_in_dim3A_866 : vector<16xi32>
        %add3A_868 = arith.constant 14 : i32
        %add3A_869 = arith.addi %mul3A_142, %add3A_868 : i32
        %get3A_870 = arith.index_cast %add3A_869 : i32 to index
        %get3A_871 = arith.constant 0 : index
        %get3A_872 = tpu.vector_load %arg11[%get3A_870, %get3A_871] {strides = array<i32>} : memref<416x128xf32, #tpu.memory_space<vmem>>, vector<1x16xf32>,
        %get3A_873 = vector.shape_cast %get3A_872 : vector<1x16xf32> to vector<16xf32>
        %add3A_874 = arith.constant 14 : i32
        %add3A_875 = arith.addi %mul3A_142, %add3A_874 : i32
        %get3A_876 = arith.index_cast %add3A_875 : i32 to index
        %get3A_877 = arith.constant 64 : index
        %get3A_878 = tpu.vector_load %arg11[%get3A_876, %get3A_877] {strides = array<i32>} : memref<416x128xf32, #tpu.memory_space<vmem>>, vector<1x16xf32>,
        %get3A_879 = vector.shape_cast %get3A_878 : vector<1x16xf32> to vector<16xf32>
        %add3A_880 = arith.constant 14 : i32
        %add3A_881 = arith.addi %mul3A_142, %add3A_880 : i32
        %get3A_882 = arith.index_cast %add3A_881 : i32 to index
        %get3A_883 = arith.constant 16 : index
        %get3A_884 = tpu.vector_load %arg11[%get3A_882, %get3A_883] {strides = array<i32>} : memref<416x128xf32, #tpu.memory_space<vmem>>, vector<1x16xf32>,
        %get3A_885 = vector.shape_cast %get3A_884 : vector<1x16xf32> to vector<16xf32>
        %add3A_886 = arith.constant 14 : i32
        %add3A_887 = arith.addi %mul3A_142, %add3A_886 : i32
        %get3A_888 = arith.index_cast %add3A_887 : i32 to index
        %get3A_889 = arith.constant 80 : index
        %get3A_890 = tpu.vector_load %arg11[%get3A_888, %get3A_889] {strides = array<i32>} : memref<416x128xf32, #tpu.memory_space<vmem>>, vector<1x16xf32>,
        %get3A_891 = vector.shape_cast %get3A_890 : vector<1x16xf32> to vector<16xf32>
        %convert_element_type3A_892 = arith.sitofp %shift_right_logical3A_867 : vector<16xi32> to vector<16xf32>
        %sub3A_893 = arith.subf %get3A_879, %get3A_873 : vector<16xf32>
        %mul3A_894 = arith.mulf %sub3A_893, %convert_element_type3A_892 : vector<16xf32>
        %add3A_895 = arith.addf %get3A_873, %mul3A_894 : vector<16xf32>
        %sub3A_896 = arith.subf %get3A_891, %get3A_885 : vector<16xf32>
        %mul3A_897 = arith.mulf %sub3A_896, %convert_element_type3A_892 : vector<16xf32>
        %add3A_898 = arith.addf %get3A_885, %mul3A_897 : vector<16xf32>
        %mul3A_899 = arith.mulf %add3A_895, %gather3A_860 : vector<16xf32>
        %mul3A_900 = arith.mulf %add3A_898, %gather3A_860 : vector<16xf32>
        %add3A_901 = arith.addf %add3A_851, %mul3A_899 : vector<16xf32>
        %add3A_902 = arith.addf %add3A_852, %mul3A_900 : vector<16xf32>
        %mul3A_903 = arith.mulf %mul3A_899, %mul3A_899 : vector<16xf32>
        %add3A_904 = arith.addf %add3A_854, %mul3A_903 : vector<16xf32>
        %mul3A_905 = arith.mulf %mul3A_900, %mul3A_900 : vector<16xf32>
        %add3A_906 = arith.addf %add3A_856, %mul3A_905 : vector<16xf32>
        %broadcast_in_dim3A_907 = arith.constant 15 : i32
        %broadcast_in_dim3A_908 = vector.broadcast %broadcast_in_dim3A_907 : i32 to vector<16x1xi32>
        %gather3A_909 = vector.shape_cast %broadcast_in_dim3A_908 : vector<16x1xi32> to vector<16xi32>
        %gather3A_910 = tpu.dynamic_gather %get3A_147[%gather3A_909] in [0] : vector<16xf32>, vector<16xi32> -> vector<16xf32>
        %broadcast_in_dim3A_911 = arith.constant 15 : i32
        %broadcast_in_dim3A_912 = vector.broadcast %broadcast_in_dim3A_911 : i32 to vector<16x1xi32>
        %gather3A_913 = vector.shape_cast %broadcast_in_dim3A_912 : vector<16x1xi32> to vector<16xi32>
        %gather3A_914 = tpu.dynamic_gather %get3A_155[%gather3A_913] in [0] : vector<16xi32>, vector<16xi32> -> vector<16xi32>
        %broadcast_in_dim3A_915 = arith.constant 19 : i32
        %broadcast_in_dim3A_916 = vector.broadcast %broadcast_in_dim3A_915 : i32 to vector<16xi32>
        %shift_right_logical3A_917 = arith.shrui %gather3A_914, %broadcast_in_dim3A_916 : vector<16xi32>
        %add3A_918 = arith.constant 15 : i32
        %add3A_919 = arith.addi %mul3A_142, %add3A_918 : i32
        %get3A_920 = arith.index_cast %add3A_919 : i32 to index
        %get3A_921 = arith.constant 0 : index
        %get3A_922 = tpu.vector_load %arg11[%get3A_920, %get3A_921] {strides = array<i32>} : memref<416x128xf32, #tpu.memory_space<vmem>>, vector<1x16xf32>,
        %get3A_923 = vector.shape_cast %get3A_922 : vector<1x16xf32> to vector<16xf32>
        %add3A_924 = arith.constant 15 : i32
        %add3A_925 = arith.addi %mul3A_142, %add3A_924 : i32
        %get3A_926 = arith.index_cast %add3A_925 : i32 to index
        %get3A_927 = arith.constant 64 : index
        %get3A_928 = tpu.vector_load %arg11[%get3A_926, %get3A_927] {strides = array<i32>} : memref<416x128xf32, #tpu.memory_space<vmem>>, vector<1x16xf32>,
        %get3A_929 = vector.shape_cast %get3A_928 : vector<1x16xf32> to vector<16xf32>
        %add3A_930 = arith.constant 15 : i32
        %add3A_931 = arith.addi %mul3A_142, %add3A_930 : i32
        %get3A_932 = arith.index_cast %add3A_931 : i32 to index
        %get3A_933 = arith.constant 16 : index
        %get3A_934 = tpu.vector_load %arg11[%get3A_932, %get3A_933] {strides = array<i32>} : memref<416x128xf32, #tpu.memory_space<vmem>>, vector<1x16xf32>,
        %get3A_935 = vector.shape_cast %get3A_934 : vector<1x16xf32> to vector<16xf32>
        %add3A_936 = arith.constant 15 : i32
        %add3A_937 = arith.addi %mul3A_142, %add3A_936 : i32
        %get3A_938 = arith.index_cast %add3A_937 : i32 to index
        %get3A_939 = arith.constant 80 : index
        %get3A_940 = tpu.vector_load %arg11[%get3A_938, %get3A_939] {strides = array<i32>} : memref<416x128xf32, #tpu.memory_space<vmem>>, vector<1x16xf32>,
        %get3A_941 = vector.shape_cast %get3A_940 : vector<1x16xf32> to vector<16xf32>
        %convert_element_type3A_942 = arith.sitofp %shift_right_logical3A_917 : vector<16xi32> to vector<16xf32>
        %sub3A_943 = arith.subf %get3A_929, %get3A_923 : vector<16xf32>
        %mul3A_944 = arith.mulf %sub3A_943, %convert_element_type3A_942 : vector<16xf32>
        %add3A_945 = arith.addf %get3A_923, %mul3A_944 : vector<16xf32>
        %sub3A_946 = arith.subf %get3A_941, %get3A_935 : vector<16xf32>
        %mul3A_947 = arith.mulf %sub3A_946, %convert_element_type3A_942 : vector<16xf32>
        %add3A_948 = arith.addf %get3A_935, %mul3A_947 : vector<16xf32>
        %mul3A_949 = arith.mulf %add3A_945, %gather3A_910 : vector<16xf32>
        %mul3A_950 = arith.mulf %add3A_948, %gather3A_910 : vector<16xf32>
        %add3A_951 = arith.addf %add3A_901, %mul3A_949 : vector<16xf32>
        %add3A_952 = arith.addf %add3A_902, %mul3A_950 : vector<16xf32>
        %mul3A_953 = arith.mulf %mul3A_949, %mul3A_949 : vector<16xf32>
        %add3A_954 = arith.addf %add3A_904, %mul3A_953 : vector<16xf32>
        %mul3A_955 = arith.mulf %mul3A_950, %mul3A_950 : vector<16xf32>
        %add3A_956 = arith.addf %add3A_906, %mul3A_955 : vector<16xf32>
        %broadcast_in_dim3A_957 = arith.constant 0 : i32
        %broadcast_in_dim3A_958 = vector.broadcast %broadcast_in_dim3A_957 : i32 to vector<16x1xi32>
        %gather3A_959 = vector.shape_cast %broadcast_in_dim3A_958 : vector<16x1xi32> to vector<16xi32>
        %gather3A_960 = tpu.dynamic_gather %get3A_152[%gather3A_959] in [0] : vector<16xf32>, vector<16xi32> -> vector<16xf32>
        %broadcast_in_dim3A_961 = arith.constant 0 : i32
        %broadcast_in_dim3A_962 = vector.broadcast %broadcast_in_dim3A_961 : i32 to vector<16x1xi32>
        %gather3A_963 = vector.shape_cast %broadcast_in_dim3A_962 : vector<16x1xi32> to vector<16xi32>
        %gather3A_964 = tpu.dynamic_gather %get3A_160[%gather3A_963] in [0] : vector<16xi32>, vector<16xi32> -> vector<16xi32>
        %broadcast_in_dim3A_965 = arith.constant 19 : i32
        %broadcast_in_dim3A_966 = vector.broadcast %broadcast_in_dim3A_965 : i32 to vector<16xi32>
        %shift_right_logical3A_967 = arith.shrui %gather3A_964, %broadcast_in_dim3A_966 : vector<16xi32>
        %add3A_968 = arith.constant 16 : i32
        %add3A_969 = arith.addi %mul3A_142, %add3A_968 : i32
        %get3A_970 = arith.index_cast %add3A_969 : i32 to index
        %get3A_971 = arith.constant 0 : index
        %get3A_972 = tpu.vector_load %arg11[%get3A_970, %get3A_971] {strides = array<i32>} : memref<416x128xf32, #tpu.memory_space<vmem>>, vector<1x16xf32>,
        %get3A_973 = vector.shape_cast %get3A_972 : vector<1x16xf32> to vector<16xf32>
        %add3A_974 = arith.constant 16 : i32
        %add3A_975 = arith.addi %mul3A_142, %add3A_974 : i32
        %get3A_976 = arith.index_cast %add3A_975 : i32 to index
        %get3A_977 = arith.constant 64 : index
        %get3A_978 = tpu.vector_load %arg11[%get3A_976, %get3A_977] {strides = array<i32>} : memref<416x128xf32, #tpu.memory_space<vmem>>, vector<1x16xf32>,
        %get3A_979 = vector.shape_cast %get3A_978 : vector<1x16xf32> to vector<16xf32>
        %add3A_980 = arith.constant 16 : i32
        %add3A_981 = arith.addi %mul3A_142, %add3A_980 : i32
        %get3A_982 = arith.index_cast %add3A_981 : i32 to index
        %get3A_983 = arith.constant 16 : index
        %get3A_984 = tpu.vector_load %arg11[%get3A_982, %get3A_983] {strides = array<i32>} : memref<416x128xf32, #tpu.memory_space<vmem>>, vector<1x16xf32>,
        %get3A_985 = vector.shape_cast %get3A_984 : vector<1x16xf32> to vector<16xf32>
        %add3A_986 = arith.constant 16 : i32
        %add3A_987 = arith.addi %mul3A_142, %add3A_986 : i32
        %get3A_988 = arith.index_cast %add3A_987 : i32 to index
        %get3A_989 = arith.constant 80 : index
        %get3A_990 = tpu.vector_load %arg11[%get3A_988, %get3A_989] {strides = array<i32>} : memref<416x128xf32, #tpu.memory_space<vmem>>, vector<1x16xf32>,
        %get3A_991 = vector.shape_cast %get3A_990 : vector<1x16xf32> to vector<16xf32>
        %convert_element_type3A_992 = arith.sitofp %shift_right_logical3A_967 : vector<16xi32> to vector<16xf32>
        %sub3A_993 = arith.subf %get3A_979, %get3A_973 : vector<16xf32>
        %mul3A_994 = arith.mulf %sub3A_993, %convert_element_type3A_992 : vector<16xf32>
        %add3A_995 = arith.addf %get3A_973, %mul3A_994 : vector<16xf32>
        %sub3A_996 = arith.subf %get3A_991, %get3A_985 : vector<16xf32>
        %mul3A_997 = arith.mulf %sub3A_996, %convert_element_type3A_992 : vector<16xf32>
        %add3A_998 = arith.addf %get3A_985, %mul3A_997 : vector<16xf32>
        %mul3A_999 = arith.mulf %add3A_995, %gather3A_960 : vector<16xf32>
        %mul3A_1000 = arith.mulf %add3A_998, %gather3A_960 : vector<16xf32>
        %add3A_1001 = arith.addf %add3A_951, %mul3A_999 : vector<16xf32>
        %add3A_1002 = arith.addf %add3A_952, %mul3A_1000 : vector<16xf32>
        %mul3A_1003 = arith.mulf %mul3A_999, %mul3A_999 : vector<16xf32>
        %add3A_1004 = arith.addf %add3A_954, %mul3A_1003 : vector<16xf32>
        %mul3A_1005 = arith.mulf %mul3A_1000, %mul3A_1000 : vector<16xf32>
        %add3A_1006 = arith.addf %add3A_956, %mul3A_1005 : vector<16xf32>
        %broadcast_in_dim3A_1007 = arith.constant 1 : i32
        %broadcast_in_dim3A_1008 = vector.broadcast %broadcast_in_dim3A_1007 : i32 to vector<16x1xi32>
        %gather3A_1009 = vector.shape_cast %broadcast_in_dim3A_1008 : vector<16x1xi32> to vector<16xi32>
        %gather3A_1010 = tpu.dynamic_gather %get3A_152[%gather3A_1009] in [0] : vector<16xf32>, vector<16xi32> -> vector<16xf32>
        %broadcast_in_dim3A_1011 = arith.constant 1 : i32
        %broadcast_in_dim3A_1012 = vector.broadcast %broadcast_in_dim3A_1011 : i32 to vector<16x1xi32>
        %gather3A_1013 = vector.shape_cast %broadcast_in_dim3A_1012 : vector<16x1xi32> to vector<16xi32>
        %gather3A_1014 = tpu.dynamic_gather %get3A_160[%gather3A_1013] in [0] : vector<16xi32>, vector<16xi32> -> vector<16xi32>
        %broadcast_in_dim3A_1015 = arith.constant 19 : i32
        %broadcast_in_dim3A_1016 = vector.broadcast %broadcast_in_dim3A_1015 : i32 to vector<16xi32>
        %shift_right_logical3A_1017 = arith.shrui %gather3A_1014, %broadcast_in_dim3A_1016 : vector<16xi32>
        %add3A_1018 = arith.constant 17 : i32
        %add3A_1019 = arith.addi %mul3A_142, %add3A_1018 : i32
        %get3A_1020 = arith.index_cast %add3A_1019 : i32 to index
        %get3A_1021 = arith.constant 0 : index
        %get3A_1022 = tpu.vector_load %arg11[%get3A_1020, %get3A_1021] {strides = array<i32>} : memref<416x128xf32, #tpu.memory_space<vmem>>, vector<1x16xf32>,
        %get3A_1023 = vector.shape_cast %get3A_1022 : vector<1x16xf32> to vector<16xf32>
        %add3A_1024 = arith.constant 17 : i32
        %add3A_1025 = arith.addi %mul3A_142, %add3A_1024 : i32
        %get3A_1026 = arith.index_cast %add3A_1025 : i32 to index
        %get3A_1027 = arith.constant 64 : index
        %get3A_1028 = tpu.vector_load %arg11[%get3A_1026, %get3A_1027] {strides = array<i32>} : memref<416x128xf32, #tpu.memory_space<vmem>>, vector<1x16xf32>,
        %get3A_1029 = vector.shape_cast %get3A_1028 : vector<1x16xf32> to vector<16xf32>
        %add3A_1030 = arith.constant 17 : i32
        %add3A_1031 = arith.addi %mul3A_142, %add3A_1030 : i32
        %get3A_1032 = arith.index_cast %add3A_1031 : i32 to index
        %get3A_1033 = arith.constant 16 : index
        %get3A_1034 = tpu.vector_load %arg11[%get3A_1032, %get3A_1033] {strides = array<i32>} : memref<416x128xf32, #tpu.memory_space<vmem>>, vector<1x16xf32>,
        %get3A_1035 = vector.shape_cast %get3A_1034 : vector<1x16xf32> to vector<16xf32>
        %add3A_1036 = arith.constant 17 : i32
        %add3A_1037 = arith.addi %mul3A_142, %add3A_1036 : i32
        %get3A_1038 = arith.index_cast %add3A_1037 : i32 to index
        %get3A_1039 = arith.constant 80 : index
        %get3A_1040 = tpu.vector_load %arg11[%get3A_1038, %get3A_1039] {strides = array<i32>} : memref<416x128xf32, #tpu.memory_space<vmem>>, vector<1x16xf32>,
        %get3A_1041 = vector.shape_cast %get3A_1040 : vector<1x16xf32> to vector<16xf32>
        %convert_element_type3A_1042 = arith.sitofp %shift_right_logical3A_1017 : vector<16xi32> to vector<16xf32>
        %sub3A_1043 = arith.subf %get3A_1029, %get3A_1023 : vector<16xf32>
        %mul3A_1044 = arith.mulf %sub3A_1043, %convert_element_type3A_1042 : vector<16xf32>
        %add3A_1045 = arith.addf %get3A_1023, %mul3A_1044 : vector<16xf32>
        %sub3A_1046 = arith.subf %get3A_1041, %get3A_1035 : vector<16xf32>
        %mul3A_1047 = arith.mulf %sub3A_1046, %convert_element_type3A_1042 : vector<16xf32>
        %add3A_1048 = arith.addf %get3A_1035, %mul3A_1047 : vector<16xf32>
        %mul3A_1049 = arith.mulf %add3A_1045, %gather3A_1010 : vector<16xf32>
        %mul3A_1050 = arith.mulf %add3A_1048, %gather3A_1010 : vector<16xf32>
        %add3A_1051 = arith.addf %add3A_1001, %mul3A_1049 : vector<16xf32>
        %add3A_1052 = arith.addf %add3A_1002, %mul3A_1050 : vector<16xf32>
        %mul3A_1053 = arith.mulf %mul3A_1049, %mul3A_1049 : vector<16xf32>
        %add3A_1054 = arith.addf %add3A_1004, %mul3A_1053 : vector<16xf32>
        %mul3A_1055 = arith.mulf %mul3A_1050, %mul3A_1050 : vector<16xf32>
        %add3A_1056 = arith.addf %add3A_1006, %mul3A_1055 : vector<16xf32>
        %broadcast_in_dim3A_1057 = arith.constant 2 : i32
        %broadcast_in_dim3A_1058 = vector.broadcast %broadcast_in_dim3A_1057 : i32 to vector<16x1xi32>
        %gather3A_1059 = vector.shape_cast %broadcast_in_dim3A_1058 : vector<16x1xi32> to vector<16xi32>
        %gather3A_1060 = tpu.dynamic_gather %get3A_152[%gather3A_1059] in [0] : vector<16xf32>, vector<16xi32> -> vector<16xf32>
        %broadcast_in_dim3A_1061 = arith.constant 2 : i32
        %broadcast_in_dim3A_1062 = vector.broadcast %broadcast_in_dim3A_1061 : i32 to vector<16x1xi32>
        %gather3A_1063 = vector.shape_cast %broadcast_in_dim3A_1062 : vector<16x1xi32> to vector<16xi32>
        %gather3A_1064 = tpu.dynamic_gather %get3A_160[%gather3A_1063] in [0] : vector<16xi32>, vector<16xi32> -> vector<16xi32>
        %broadcast_in_dim3A_1065 = arith.constant 19 : i32
        %broadcast_in_dim3A_1066 = vector.broadcast %broadcast_in_dim3A_1065 : i32 to vector<16xi32>
        %shift_right_logical3A_1067 = arith.shrui %gather3A_1064, %broadcast_in_dim3A_1066 : vector<16xi32>
        %add3A_1068 = arith.constant 18 : i32
        %add3A_1069 = arith.addi %mul3A_142, %add3A_1068 : i32
        %get3A_1070 = arith.index_cast %add3A_1069 : i32 to index
        %get3A_1071 = arith.constant 0 : index
        %get3A_1072 = tpu.vector_load %arg11[%get3A_1070, %get3A_1071] {strides = array<i32>} : memref<416x128xf32, #tpu.memory_space<vmem>>, vector<1x16xf32>,
        %get3A_1073 = vector.shape_cast %get3A_1072 : vector<1x16xf32> to vector<16xf32>
        %add3A_1074 = arith.constant 18 : i32
        %add3A_1075 = arith.addi %mul3A_142, %add3A_1074 : i32
        %get3A_1076 = arith.index_cast %add3A_1075 : i32 to index
        %get3A_1077 = arith.constant 64 : index
        %get3A_1078 = tpu.vector_load %arg11[%get3A_1076, %get3A_1077] {strides = array<i32>} : memref<416x128xf32, #tpu.memory_space<vmem>>, vector<1x16xf32>,
        %get3A_1079 = vector.shape_cast %get3A_1078 : vector<1x16xf32> to vector<16xf32>
        %add3A_1080 = arith.constant 18 : i32
        %add3A_1081 = arith.addi %mul3A_142, %add3A_1080 : i32
        %get3A_1082 = arith.index_cast %add3A_1081 : i32 to index
        %get3A_1083 = arith.constant 16 : index
        %get3A_1084 = tpu.vector_load %arg11[%get3A_1082, %get3A_1083] {strides = array<i32>} : memref<416x128xf32, #tpu.memory_space<vmem>>, vector<1x16xf32>,
        %get3A_1085 = vector.shape_cast %get3A_1084 : vector<1x16xf32> to vector<16xf32>
        %add3A_1086 = arith.constant 18 : i32
        %add3A_1087 = arith.addi %mul3A_142, %add3A_1086 : i32
        %get3A_1088 = arith.index_cast %add3A_1087 : i32 to index
        %get3A_1089 = arith.constant 80 : index
        %get3A_1090 = tpu.vector_load %arg11[%get3A_1088, %get3A_1089] {strides = array<i32>} : memref<416x128xf32, #tpu.memory_space<vmem>>, vector<1x16xf32>,
        %get3A_1091 = vector.shape_cast %get3A_1090 : vector<1x16xf32> to vector<16xf32>
        %convert_element_type3A_1092 = arith.sitofp %shift_right_logical3A_1067 : vector<16xi32> to vector<16xf32>
        %sub3A_1093 = arith.subf %get3A_1079, %get3A_1073 : vector<16xf32>
        %mul3A_1094 = arith.mulf %sub3A_1093, %convert_element_type3A_1092 : vector<16xf32>
        %add3A_1095 = arith.addf %get3A_1073, %mul3A_1094 : vector<16xf32>
        %sub3A_1096 = arith.subf %get3A_1091, %get3A_1085 : vector<16xf32>
        %mul3A_1097 = arith.mulf %sub3A_1096, %convert_element_type3A_1092 : vector<16xf32>
        %add3A_1098 = arith.addf %get3A_1085, %mul3A_1097 : vector<16xf32>
        %mul3A_1099 = arith.mulf %add3A_1095, %gather3A_1060 : vector<16xf32>
        %mul3A_1100 = arith.mulf %add3A_1098, %gather3A_1060 : vector<16xf32>
        %add3A_1101 = arith.addf %add3A_1051, %mul3A_1099 : vector<16xf32>
        %add3A_1102 = arith.addf %add3A_1052, %mul3A_1100 : vector<16xf32>
        %mul3A_1103 = arith.mulf %mul3A_1099, %mul3A_1099 : vector<16xf32>
        %add3A_1104 = arith.addf %add3A_1054, %mul3A_1103 : vector<16xf32>
        %mul3A_1105 = arith.mulf %mul3A_1100, %mul3A_1100 : vector<16xf32>
        %add3A_1106 = arith.addf %add3A_1056, %mul3A_1105 : vector<16xf32>
        %broadcast_in_dim3A_1107 = arith.constant 3 : i32
        %broadcast_in_dim3A_1108 = vector.broadcast %broadcast_in_dim3A_1107 : i32 to vector<16x1xi32>
        %gather3A_1109 = vector.shape_cast %broadcast_in_dim3A_1108 : vector<16x1xi32> to vector<16xi32>
        %gather3A_1110 = tpu.dynamic_gather %get3A_152[%gather3A_1109] in [0] : vector<16xf32>, vector<16xi32> -> vector<16xf32>
        %broadcast_in_dim3A_1111 = arith.constant 3 : i32
        %broadcast_in_dim3A_1112 = vector.broadcast %broadcast_in_dim3A_1111 : i32 to vector<16x1xi32>
        %gather3A_1113 = vector.shape_cast %broadcast_in_dim3A_1112 : vector<16x1xi32> to vector<16xi32>
        %gather3A_1114 = tpu.dynamic_gather %get3A_160[%gather3A_1113] in [0] : vector<16xi32>, vector<16xi32> -> vector<16xi32>
        %broadcast_in_dim3A_1115 = arith.constant 19 : i32
        %broadcast_in_dim3A_1116 = vector.broadcast %broadcast_in_dim3A_1115 : i32 to vector<16xi32>
        %shift_right_logical3A_1117 = arith.shrui %gather3A_1114, %broadcast_in_dim3A_1116 : vector<16xi32>
        %add3A_1118 = arith.constant 19 : i32
        %add3A_1119 = arith.addi %mul3A_142, %add3A_1118 : i32
        %get3A_1120 = arith.index_cast %add3A_1119 : i32 to index
        %get3A_1121 = arith.constant 0 : index
        %get3A_1122 = tpu.vector_load %arg11[%get3A_1120, %get3A_1121] {strides = array<i32>} : memref<416x128xf32, #tpu.memory_space<vmem>>, vector<1x16xf32>,
        %get3A_1123 = vector.shape_cast %get3A_1122 : vector<1x16xf32> to vector<16xf32>
        %add3A_1124 = arith.constant 19 : i32
        %add3A_1125 = arith.addi %mul3A_142, %add3A_1124 : i32
        %get3A_1126 = arith.index_cast %add3A_1125 : i32 to index
        %get3A_1127 = arith.constant 64 : index
        %get3A_1128 = tpu.vector_load %arg11[%get3A_1126, %get3A_1127] {strides = array<i32>} : memref<416x128xf32, #tpu.memory_space<vmem>>, vector<1x16xf32>,
        %get3A_1129 = vector.shape_cast %get3A_1128 : vector<1x16xf32> to vector<16xf32>
        %add3A_1130 = arith.constant 19 : i32
        %add3A_1131 = arith.addi %mul3A_142, %add3A_1130 : i32
        %get3A_1132 = arith.index_cast %add3A_1131 : i32 to index
        %get3A_1133 = arith.constant 16 : index
        %get3A_1134 = tpu.vector_load %arg11[%get3A_1132, %get3A_1133] {strides = array<i32>} : memref<416x128xf32, #tpu.memory_space<vmem>>, vector<1x16xf32>,
        %get3A_1135 = vector.shape_cast %get3A_1134 : vector<1x16xf32> to vector<16xf32>
        %add3A_1136 = arith.constant 19 : i32
        %add3A_1137 = arith.addi %mul3A_142, %add3A_1136 : i32
        %get3A_1138 = arith.index_cast %add3A_1137 : i32 to index
        %get3A_1139 = arith.constant 80 : index
        %get3A_1140 = tpu.vector_load %arg11[%get3A_1138, %get3A_1139] {strides = array<i32>} : memref<416x128xf32, #tpu.memory_space<vmem>>, vector<1x16xf32>,
        %get3A_1141 = vector.shape_cast %get3A_1140 : vector<1x16xf32> to vector<16xf32>
        %convert_element_type3A_1142 = arith.sitofp %shift_right_logical3A_1117 : vector<16xi32> to vector<16xf32>
        %sub3A_1143 = arith.subf %get3A_1129, %get3A_1123 : vector<16xf32>
        %mul3A_1144 = arith.mulf %sub3A_1143, %convert_element_type3A_1142 : vector<16xf32>
        %add3A_1145 = arith.addf %get3A_1123, %mul3A_1144 : vector<16xf32>
        %sub3A_1146 = arith.subf %get3A_1141, %get3A_1135 : vector<16xf32>
        %mul3A_1147 = arith.mulf %sub3A_1146, %convert_element_type3A_1142 : vector<16xf32>
        %add3A_1148 = arith.addf %get3A_1135, %mul3A_1147 : vector<16xf32>
        %mul3A_1149 = arith.mulf %add3A_1145, %gather3A_1110 : vector<16xf32>
        %mul3A_1150 = arith.mulf %add3A_1148, %gather3A_1110 : vector<16xf32>
        %add3A_1151 = arith.addf %add3A_1101, %mul3A_1149 : vector<16xf32>
        %add3A_1152 = arith.addf %add3A_1102, %mul3A_1150 : vector<16xf32>
        %mul3A_1153 = arith.mulf %mul3A_1149, %mul3A_1149 : vector<16xf32>
        %add3A_1154 = arith.addf %add3A_1104, %mul3A_1153 : vector<16xf32>
        %mul3A_1155 = arith.mulf %mul3A_1150, %mul3A_1150 : vector<16xf32>
        %add3A_1156 = arith.addf %add3A_1106, %mul3A_1155 : vector<16xf32>
        %broadcast_in_dim3A_1157 = arith.constant 4 : i32
        %broadcast_in_dim3A_1158 = vector.broadcast %broadcast_in_dim3A_1157 : i32 to vector<16x1xi32>
        %gather3A_1159 = vector.shape_cast %broadcast_in_dim3A_1158 : vector<16x1xi32> to vector<16xi32>
        %gather3A_1160 = tpu.dynamic_gather %get3A_152[%gather3A_1159] in [0] : vector<16xf32>, vector<16xi32> -> vector<16xf32>
        %broadcast_in_dim3A_1161 = arith.constant 4 : i32
        %broadcast_in_dim3A_1162 = vector.broadcast %broadcast_in_dim3A_1161 : i32 to vector<16x1xi32>
        %gather3A_1163 = vector.shape_cast %broadcast_in_dim3A_1162 : vector<16x1xi32> to vector<16xi32>
        %gather3A_1164 = tpu.dynamic_gather %get3A_160[%gather3A_1163] in [0] : vector<16xi32>, vector<16xi32> -> vector<16xi32>
        %broadcast_in_dim3A_1165 = arith.constant 19 : i32
        %broadcast_in_dim3A_1166 = vector.broadcast %broadcast_in_dim3A_1165 : i32 to vector<16xi32>
        %shift_right_logical3A_1167 = arith.shrui %gather3A_1164, %broadcast_in_dim3A_1166 : vector<16xi32>
        %add3A_1168 = arith.constant 20 : i32
        %add3A_1169 = arith.addi %mul3A_142, %add3A_1168 : i32
        %get3A_1170 = arith.index_cast %add3A_1169 : i32 to index
        %get3A_1171 = arith.constant 0 : index
        %get3A_1172 = tpu.vector_load %arg11[%get3A_1170, %get3A_1171] {strides = array<i32>} : memref<416x128xf32, #tpu.memory_space<vmem>>, vector<1x16xf32>,
        %get3A_1173 = vector.shape_cast %get3A_1172 : vector<1x16xf32> to vector<16xf32>
        %add3A_1174 = arith.constant 20 : i32
        %add3A_1175 = arith.addi %mul3A_142, %add3A_1174 : i32
        %get3A_1176 = arith.index_cast %add3A_1175 : i32 to index
        %get3A_1177 = arith.constant 64 : index
        %get3A_1178 = tpu.vector_load %arg11[%get3A_1176, %get3A_1177] {strides = array<i32>} : memref<416x128xf32, #tpu.memory_space<vmem>>, vector<1x16xf32>,
        %get3A_1179 = vector.shape_cast %get3A_1178 : vector<1x16xf32> to vector<16xf32>
        %add3A_1180 = arith.constant 20 : i32
        %add3A_1181 = arith.addi %mul3A_142, %add3A_1180 : i32
        %get3A_1182 = arith.index_cast %add3A_1181 : i32 to index
        %get3A_1183 = arith.constant 16 : index
        %get3A_1184 = tpu.vector_load %arg11[%get3A_1182, %get3A_1183] {strides = array<i32>} : memref<416x128xf32, #tpu.memory_space<vmem>>, vector<1x16xf32>,
        %get3A_1185 = vector.shape_cast %get3A_1184 : vector<1x16xf32> to vector<16xf32>
        %add3A_1186 = arith.constant 20 : i32
        %add3A_1187 = arith.addi %mul3A_142, %add3A_1186 : i32
        %get3A_1188 = arith.index_cast %add3A_1187 : i32 to index
        %get3A_1189 = arith.constant 80 : index
        %get3A_1190 = tpu.vector_load %arg11[%get3A_1188, %get3A_1189] {strides = array<i32>} : memref<416x128xf32, #tpu.memory_space<vmem>>, vector<1x16xf32>,
        %get3A_1191 = vector.shape_cast %get3A_1190 : vector<1x16xf32> to vector<16xf32>
        %convert_element_type3A_1192 = arith.sitofp %shift_right_logical3A_1167 : vector<16xi32> to vector<16xf32>
        %sub3A_1193 = arith.subf %get3A_1179, %get3A_1173 : vector<16xf32>
        %mul3A_1194 = arith.mulf %sub3A_1193, %convert_element_type3A_1192 : vector<16xf32>
        %add3A_1195 = arith.addf %get3A_1173, %mul3A_1194 : vector<16xf32>
        %sub3A_1196 = arith.subf %get3A_1191, %get3A_1185 : vector<16xf32>
        %mul3A_1197 = arith.mulf %sub3A_1196, %convert_element_type3A_1192 : vector<16xf32>
        %add3A_1198 = arith.addf %get3A_1185, %mul3A_1197 : vector<16xf32>
        %mul3A_1199 = arith.mulf %add3A_1195, %gather3A_1160 : vector<16xf32>
        %mul3A_1200 = arith.mulf %add3A_1198, %gather3A_1160 : vector<16xf32>
        %add3A_1201 = arith.addf %add3A_1151, %mul3A_1199 : vector<16xf32>
        %add3A_1202 = arith.addf %add3A_1152, %mul3A_1200 : vector<16xf32>
        %mul3A_1203 = arith.mulf %mul3A_1199, %mul3A_1199 : vector<16xf32>
        %add3A_1204 = arith.addf %add3A_1154, %mul3A_1203 : vector<16xf32>
        %mul3A_1205 = arith.mulf %mul3A_1200, %mul3A_1200 : vector<16xf32>
        %add3A_1206 = arith.addf %add3A_1156, %mul3A_1205 : vector<16xf32>
        %broadcast_in_dim3A_1207 = arith.constant 5 : i32
        %broadcast_in_dim3A_1208 = vector.broadcast %broadcast_in_dim3A_1207 : i32 to vector<16x1xi32>
        %gather3A_1209 = vector.shape_cast %broadcast_in_dim3A_1208 : vector<16x1xi32> to vector<16xi32>
        %gather3A_1210 = tpu.dynamic_gather %get3A_152[%gather3A_1209] in [0] : vector<16xf32>, vector<16xi32> -> vector<16xf32>
        %broadcast_in_dim3A_1211 = arith.constant 5 : i32
        %broadcast_in_dim3A_1212 = vector.broadcast %broadcast_in_dim3A_1211 : i32 to vector<16x1xi32>
        %gather3A_1213 = vector.shape_cast %broadcast_in_dim3A_1212 : vector<16x1xi32> to vector<16xi32>
        %gather3A_1214 = tpu.dynamic_gather %get3A_160[%gather3A_1213] in [0] : vector<16xi32>, vector<16xi32> -> vector<16xi32>
        %broadcast_in_dim3A_1215 = arith.constant 19 : i32
        %broadcast_in_dim3A_1216 = vector.broadcast %broadcast_in_dim3A_1215 : i32 to vector<16xi32>
        %shift_right_logical3A_1217 = arith.shrui %gather3A_1214, %broadcast_in_dim3A_1216 : vector<16xi32>
        %add3A_1218 = arith.constant 21 : i32
        %add3A_1219 = arith.addi %mul3A_142, %add3A_1218 : i32
        %get3A_1220 = arith.index_cast %add3A_1219 : i32 to index
        %get3A_1221 = arith.constant 0 : index
        %get3A_1222 = tpu.vector_load %arg11[%get3A_1220, %get3A_1221] {strides = array<i32>} : memref<416x128xf32, #tpu.memory_space<vmem>>, vector<1x16xf32>,
        %get3A_1223 = vector.shape_cast %get3A_1222 : vector<1x16xf32> to vector<16xf32>
        %add3A_1224 = arith.constant 21 : i32
        %add3A_1225 = arith.addi %mul3A_142, %add3A_1224 : i32
        %get3A_1226 = arith.index_cast %add3A_1225 : i32 to index
        %get3A_1227 = arith.constant 64 : index
        %get3A_1228 = tpu.vector_load %arg11[%get3A_1226, %get3A_1227] {strides = array<i32>} : memref<416x128xf32, #tpu.memory_space<vmem>>, vector<1x16xf32>,
        %get3A_1229 = vector.shape_cast %get3A_1228 : vector<1x16xf32> to vector<16xf32>
        %add3A_1230 = arith.constant 21 : i32
        %add3A_1231 = arith.addi %mul3A_142, %add3A_1230 : i32
        %get3A_1232 = arith.index_cast %add3A_1231 : i32 to index
        %get3A_1233 = arith.constant 16 : index
        %get3A_1234 = tpu.vector_load %arg11[%get3A_1232, %get3A_1233] {strides = array<i32>} : memref<416x128xf32, #tpu.memory_space<vmem>>, vector<1x16xf32>,
        %get3A_1235 = vector.shape_cast %get3A_1234 : vector<1x16xf32> to vector<16xf32>
        %add3A_1236 = arith.constant 21 : i32
        %add3A_1237 = arith.addi %mul3A_142, %add3A_1236 : i32
        %get3A_1238 = arith.index_cast %add3A_1237 : i32 to index
        %get3A_1239 = arith.constant 80 : index
        %get3A_1240 = tpu.vector_load %arg11[%get3A_1238, %get3A_1239] {strides = array<i32>} : memref<416x128xf32, #tpu.memory_space<vmem>>, vector<1x16xf32>,
        %get3A_1241 = vector.shape_cast %get3A_1240 : vector<1x16xf32> to vector<16xf32>
        %convert_element_type3A_1242 = arith.sitofp %shift_right_logical3A_1217 : vector<16xi32> to vector<16xf32>
        %sub3A_1243 = arith.subf %get3A_1229, %get3A_1223 : vector<16xf32>
        %mul3A_1244 = arith.mulf %sub3A_1243, %convert_element_type3A_1242 : vector<16xf32>
        %add3A_1245 = arith.addf %get3A_1223, %mul3A_1244 : vector<16xf32>
        %sub3A_1246 = arith.subf %get3A_1241, %get3A_1235 : vector<16xf32>
        %mul3A_1247 = arith.mulf %sub3A_1246, %convert_element_type3A_1242 : vector<16xf32>
        %add3A_1248 = arith.addf %get3A_1235, %mul3A_1247 : vector<16xf32>
        %mul3A_1249 = arith.mulf %add3A_1245, %gather3A_1210 : vector<16xf32>
        %mul3A_1250 = arith.mulf %add3A_1248, %gather3A_1210 : vector<16xf32>
        %add3A_1251 = arith.addf %add3A_1201, %mul3A_1249 : vector<16xf32>
        %add3A_1252 = arith.addf %add3A_1202, %mul3A_1250 : vector<16xf32>
        %mul3A_1253 = arith.mulf %mul3A_1249, %mul3A_1249 : vector<16xf32>
        %add3A_1254 = arith.addf %add3A_1204, %mul3A_1253 : vector<16xf32>
        %mul3A_1255 = arith.mulf %mul3A_1250, %mul3A_1250 : vector<16xf32>
        %add3A_1256 = arith.addf %add3A_1206, %mul3A_1255 : vector<16xf32>
        %broadcast_in_dim3A_1257 = arith.constant 6 : i32
        %broadcast_in_dim3A_1258 = vector.broadcast %broadcast_in_dim3A_1257 : i32 to vector<16x1xi32>
        %gather3A_1259 = vector.shape_cast %broadcast_in_dim3A_1258 : vector<16x1xi32> to vector<16xi32>
        %gather3A_1260 = tpu.dynamic_gather %get3A_152[%gather3A_1259] in [0] : vector<16xf32>, vector<16xi32> -> vector<16xf32>
        %broadcast_in_dim3A_1261 = arith.constant 6 : i32
        %broadcast_in_dim3A_1262 = vector.broadcast %broadcast_in_dim3A_1261 : i32 to vector<16x1xi32>
        %gather3A_1263 = vector.shape_cast %broadcast_in_dim3A_1262 : vector<16x1xi32> to vector<16xi32>
        %gather3A_1264 = tpu.dynamic_gather %get3A_160[%gather3A_1263] in [0] : vector<16xi32>, vector<16xi32> -> vector<16xi32>
        %broadcast_in_dim3A_1265 = arith.constant 19 : i32
        %broadcast_in_dim3A_1266 = vector.broadcast %broadcast_in_dim3A_1265 : i32 to vector<16xi32>
        %shift_right_logical3A_1267 = arith.shrui %gather3A_1264, %broadcast_in_dim3A_1266 : vector<16xi32>
        %add3A_1268 = arith.constant 22 : i32
        %add3A_1269 = arith.addi %mul3A_142, %add3A_1268 : i32
        %get3A_1270 = arith.index_cast %add3A_1269 : i32 to index
        %get3A_1271 = arith.constant 0 : index
        %get3A_1272 = tpu.vector_load %arg11[%get3A_1270, %get3A_1271] {strides = array<i32>} : memref<416x128xf32, #tpu.memory_space<vmem>>, vector<1x16xf32>,
        %get3A_1273 = vector.shape_cast %get3A_1272 : vector<1x16xf32> to vector<16xf32>
        %add3A_1274 = arith.constant 22 : i32
        %add3A_1275 = arith.addi %mul3A_142, %add3A_1274 : i32
        %get3A_1276 = arith.index_cast %add3A_1275 : i32 to index
        %get3A_1277 = arith.constant 64 : index
        %get3A_1278 = tpu.vector_load %arg11[%get3A_1276, %get3A_1277] {strides = array<i32>} : memref<416x128xf32, #tpu.memory_space<vmem>>, vector<1x16xf32>,
        %get3A_1279 = vector.shape_cast %get3A_1278 : vector<1x16xf32> to vector<16xf32>
        %add3A_1280 = arith.constant 22 : i32
        %add3A_1281 = arith.addi %mul3A_142, %add3A_1280 : i32
        %get3A_1282 = arith.index_cast %add3A_1281 : i32 to index
        %get3A_1283 = arith.constant 16 : index
        %get3A_1284 = tpu.vector_load %arg11[%get3A_1282, %get3A_1283] {strides = array<i32>} : memref<416x128xf32, #tpu.memory_space<vmem>>, vector<1x16xf32>,
        %get3A_1285 = vector.shape_cast %get3A_1284 : vector<1x16xf32> to vector<16xf32>
        %add3A_1286 = arith.constant 22 : i32
        %add3A_1287 = arith.addi %mul3A_142, %add3A_1286 : i32
        %get3A_1288 = arith.index_cast %add3A_1287 : i32 to index
        %get3A_1289 = arith.constant 80 : index
        %get3A_1290 = tpu.vector_load %arg11[%get3A_1288, %get3A_1289] {strides = array<i32>} : memref<416x128xf32, #tpu.memory_space<vmem>>, vector<1x16xf32>,
        %get3A_1291 = vector.shape_cast %get3A_1290 : vector<1x16xf32> to vector<16xf32>
        %convert_element_type3A_1292 = arith.sitofp %shift_right_logical3A_1267 : vector<16xi32> to vector<16xf32>
        %sub3A_1293 = arith.subf %get3A_1279, %get3A_1273 : vector<16xf32>
        %mul3A_1294 = arith.mulf %sub3A_1293, %convert_element_type3A_1292 : vector<16xf32>
        %add3A_1295 = arith.addf %get3A_1273, %mul3A_1294 : vector<16xf32>
        %sub3A_1296 = arith.subf %get3A_1291, %get3A_1285 : vector<16xf32>
        %mul3A_1297 = arith.mulf %sub3A_1296, %convert_element_type3A_1292 : vector<16xf32>
        %add3A_1298 = arith.addf %get3A_1285, %mul3A_1297 : vector<16xf32>
        %mul3A_1299 = arith.mulf %add3A_1295, %gather3A_1260 : vector<16xf32>
        %mul3A_1300 = arith.mulf %add3A_1298, %gather3A_1260 : vector<16xf32>
        %add3A_1301 = arith.addf %add3A_1251, %mul3A_1299 : vector<16xf32>
        %add3A_1302 = arith.addf %add3A_1252, %mul3A_1300 : vector<16xf32>
        %mul3A_1303 = arith.mulf %mul3A_1299, %mul3A_1299 : vector<16xf32>
        %add3A_1304 = arith.addf %add3A_1254, %mul3A_1303 : vector<16xf32>
        %mul3A_1305 = arith.mulf %mul3A_1300, %mul3A_1300 : vector<16xf32>
        %add3A_1306 = arith.addf %add3A_1256, %mul3A_1305 : vector<16xf32>
        %broadcast_in_dim3A_1307 = arith.constant 7 : i32
        %broadcast_in_dim3A_1308 = vector.broadcast %broadcast_in_dim3A_1307 : i32 to vector<16x1xi32>
        %gather3A_1309 = vector.shape_cast %broadcast_in_dim3A_1308 : vector<16x1xi32> to vector<16xi32>
        %gather3A_1310 = tpu.dynamic_gather %get3A_152[%gather3A_1309] in [0] : vector<16xf32>, vector<16xi32> -> vector<16xf32>
        %broadcast_in_dim3A_1311 = arith.constant 7 : i32
        %broadcast_in_dim3A_1312 = vector.broadcast %broadcast_in_dim3A_1311 : i32 to vector<16x1xi32>
        %gather3A_1313 = vector.shape_cast %broadcast_in_dim3A_1312 : vector<16x1xi32> to vector<16xi32>
        %gather3A_1314 = tpu.dynamic_gather %get3A_160[%gather3A_1313] in [0] : vector<16xi32>, vector<16xi32> -> vector<16xi32>
        %broadcast_in_dim3A_1315 = arith.constant 19 : i32
        %broadcast_in_dim3A_1316 = vector.broadcast %broadcast_in_dim3A_1315 : i32 to vector<16xi32>
        %shift_right_logical3A_1317 = arith.shrui %gather3A_1314, %broadcast_in_dim3A_1316 : vector<16xi32>
        %add3A_1318 = arith.constant 23 : i32
        %add3A_1319 = arith.addi %mul3A_142, %add3A_1318 : i32
        %get3A_1320 = arith.index_cast %add3A_1319 : i32 to index
        %get3A_1321 = arith.constant 0 : index
        %get3A_1322 = tpu.vector_load %arg11[%get3A_1320, %get3A_1321] {strides = array<i32>} : memref<416x128xf32, #tpu.memory_space<vmem>>, vector<1x16xf32>,
        %get3A_1323 = vector.shape_cast %get3A_1322 : vector<1x16xf32> to vector<16xf32>
        %add3A_1324 = arith.constant 23 : i32
        %add3A_1325 = arith.addi %mul3A_142, %add3A_1324 : i32
        %get3A_1326 = arith.index_cast %add3A_1325 : i32 to index
        %get3A_1327 = arith.constant 64 : index
        %get3A_1328 = tpu.vector_load %arg11[%get3A_1326, %get3A_1327] {strides = array<i32>} : memref<416x128xf32, #tpu.memory_space<vmem>>, vector<1x16xf32>,
        %get3A_1329 = vector.shape_cast %get3A_1328 : vector<1x16xf32> to vector<16xf32>
        %add3A_1330 = arith.constant 23 : i32
        %add3A_1331 = arith.addi %mul3A_142, %add3A_1330 : i32
        %get3A_1332 = arith.index_cast %add3A_1331 : i32 to index
        %get3A_1333 = arith.constant 16 : index
        %get3A_1334 = tpu.vector_load %arg11[%get3A_1332, %get3A_1333] {strides = array<i32>} : memref<416x128xf32, #tpu.memory_space<vmem>>, vector<1x16xf32>,
        %get3A_1335 = vector.shape_cast %get3A_1334 : vector<1x16xf32> to vector<16xf32>
        %add3A_1336 = arith.constant 23 : i32
        %add3A_1337 = arith.addi %mul3A_142, %add3A_1336 : i32
        %get3A_1338 = arith.index_cast %add3A_1337 : i32 to index
        %get3A_1339 = arith.constant 80 : index
        %get3A_1340 = tpu.vector_load %arg11[%get3A_1338, %get3A_1339] {strides = array<i32>} : memref<416x128xf32, #tpu.memory_space<vmem>>, vector<1x16xf32>,
        %get3A_1341 = vector.shape_cast %get3A_1340 : vector<1x16xf32> to vector<16xf32>
        %convert_element_type3A_1342 = arith.sitofp %shift_right_logical3A_1317 : vector<16xi32> to vector<16xf32>
        %sub3A_1343 = arith.subf %get3A_1329, %get3A_1323 : vector<16xf32>
        %mul3A_1344 = arith.mulf %sub3A_1343, %convert_element_type3A_1342 : vector<16xf32>
        %add3A_1345 = arith.addf %get3A_1323, %mul3A_1344 : vector<16xf32>
        %sub3A_1346 = arith.subf %get3A_1341, %get3A_1335 : vector<16xf32>
        %mul3A_1347 = arith.mulf %sub3A_1346, %convert_element_type3A_1342 : vector<16xf32>
        %add3A_1348 = arith.addf %get3A_1335, %mul3A_1347 : vector<16xf32>
        %mul3A_1349 = arith.mulf %add3A_1345, %gather3A_1310 : vector<16xf32>
        %mul3A_1350 = arith.mulf %add3A_1348, %gather3A_1310 : vector<16xf32>
        %add3A_1351 = arith.addf %add3A_1301, %mul3A_1349 : vector<16xf32>
        %add3A_1352 = arith.addf %add3A_1302, %mul3A_1350 : vector<16xf32>
        %mul3A_1353 = arith.mulf %mul3A_1349, %mul3A_1349 : vector<16xf32>
        %add3A_1354 = arith.addf %add3A_1304, %mul3A_1353 : vector<16xf32>
        %mul3A_1355 = arith.mulf %mul3A_1350, %mul3A_1350 : vector<16xf32>
        %add3A_1356 = arith.addf %add3A_1306, %mul3A_1355 : vector<16xf32>
        %broadcast_in_dim3A_1357 = arith.constant 8 : i32
        %broadcast_in_dim3A_1358 = vector.broadcast %broadcast_in_dim3A_1357 : i32 to vector<16x1xi32>
        %gather3A_1359 = vector.shape_cast %broadcast_in_dim3A_1358 : vector<16x1xi32> to vector<16xi32>
        %gather3A_1360 = tpu.dynamic_gather %get3A_152[%gather3A_1359] in [0] : vector<16xf32>, vector<16xi32> -> vector<16xf32>
        %broadcast_in_dim3A_1361 = arith.constant 8 : i32
        %broadcast_in_dim3A_1362 = vector.broadcast %broadcast_in_dim3A_1361 : i32 to vector<16x1xi32>
        %gather3A_1363 = vector.shape_cast %broadcast_in_dim3A_1362 : vector<16x1xi32> to vector<16xi32>
        %gather3A_1364 = tpu.dynamic_gather %get3A_160[%gather3A_1363] in [0] : vector<16xi32>, vector<16xi32> -> vector<16xi32>
        %broadcast_in_dim3A_1365 = arith.constant 19 : i32
        %broadcast_in_dim3A_1366 = vector.broadcast %broadcast_in_dim3A_1365 : i32 to vector<16xi32>
        %shift_right_logical3A_1367 = arith.shrui %gather3A_1364, %broadcast_in_dim3A_1366 : vector<16xi32>
        %add3A_1368 = arith.constant 24 : i32
        %add3A_1369 = arith.addi %mul3A_142, %add3A_1368 : i32
        %get3A_1370 = arith.index_cast %add3A_1369 : i32 to index
        %get3A_1371 = arith.constant 0 : index
        %get3A_1372 = tpu.vector_load %arg11[%get3A_1370, %get3A_1371] {strides = array<i32>} : memref<416x128xf32, #tpu.memory_space<vmem>>, vector<1x16xf32>,
        %get3A_1373 = vector.shape_cast %get3A_1372 : vector<1x16xf32> to vector<16xf32>
        %add3A_1374 = arith.constant 24 : i32
        %add3A_1375 = arith.addi %mul3A_142, %add3A_1374 : i32
        %get3A_1376 = arith.index_cast %add3A_1375 : i32 to index
        %get3A_1377 = arith.constant 64 : index
        %get3A_1378 = tpu.vector_load %arg11[%get3A_1376, %get3A_1377] {strides = array<i32>} : memref<416x128xf32, #tpu.memory_space<vmem>>, vector<1x16xf32>,
        %get3A_1379 = vector.shape_cast %get3A_1378 : vector<1x16xf32> to vector<16xf32>
        %add3A_1380 = arith.constant 24 : i32
        %add3A_1381 = arith.addi %mul3A_142, %add3A_1380 : i32
        %get3A_1382 = arith.index_cast %add3A_1381 : i32 to index
        %get3A_1383 = arith.constant 16 : index
        %get3A_1384 = tpu.vector_load %arg11[%get3A_1382, %get3A_1383] {strides = array<i32>} : memref<416x128xf32, #tpu.memory_space<vmem>>, vector<1x16xf32>,
        %get3A_1385 = vector.shape_cast %get3A_1384 : vector<1x16xf32> to vector<16xf32>
        %add3A_1386 = arith.constant 24 : i32
        %add3A_1387 = arith.addi %mul3A_142, %add3A_1386 : i32
        %get3A_1388 = arith.index_cast %add3A_1387 : i32 to index
        %get3A_1389 = arith.constant 80 : index
        %get3A_1390 = tpu.vector_load %arg11[%get3A_1388, %get3A_1389] {strides = array<i32>} : memref<416x128xf32, #tpu.memory_space<vmem>>, vector<1x16xf32>,
        %get3A_1391 = vector.shape_cast %get3A_1390 : vector<1x16xf32> to vector<16xf32>
        %convert_element_type3A_1392 = arith.sitofp %shift_right_logical3A_1367 : vector<16xi32> to vector<16xf32>
        %sub3A_1393 = arith.subf %get3A_1379, %get3A_1373 : vector<16xf32>
        %mul3A_1394 = arith.mulf %sub3A_1393, %convert_element_type3A_1392 : vector<16xf32>
        %add3A_1395 = arith.addf %get3A_1373, %mul3A_1394 : vector<16xf32>
        %sub3A_1396 = arith.subf %get3A_1391, %get3A_1385 : vector<16xf32>
        %mul3A_1397 = arith.mulf %sub3A_1396, %convert_element_type3A_1392 : vector<16xf32>
        %add3A_1398 = arith.addf %get3A_1385, %mul3A_1397 : vector<16xf32>
        %mul3A_1399 = arith.mulf %add3A_1395, %gather3A_1360 : vector<16xf32>
        %mul3A_1400 = arith.mulf %add3A_1398, %gather3A_1360 : vector<16xf32>
        %add3A_1401 = arith.addf %add3A_1351, %mul3A_1399 : vector<16xf32>
        %add3A_1402 = arith.addf %add3A_1352, %mul3A_1400 : vector<16xf32>
        %mul3A_1403 = arith.mulf %mul3A_1399, %mul3A_1399 : vector<16xf32>
        %add3A_1404 = arith.addf %add3A_1354, %mul3A_1403 : vector<16xf32>
        %mul3A_1405 = arith.mulf %mul3A_1400, %mul3A_1400 : vector<16xf32>
        %add3A_1406 = arith.addf %add3A_1356, %mul3A_1405 : vector<16xf32>
        %broadcast_in_dim3A_1407 = arith.constant 9 : i32
        %broadcast_in_dim3A_1408 = vector.broadcast %broadcast_in_dim3A_1407 : i32 to vector<16x1xi32>
        %gather3A_1409 = vector.shape_cast %broadcast_in_dim3A_1408 : vector<16x1xi32> to vector<16xi32>
        %gather3A_1410 = tpu.dynamic_gather %get3A_152[%gather3A_1409] in [0] : vector<16xf32>, vector<16xi32> -> vector<16xf32>
        %broadcast_in_dim3A_1411 = arith.constant 9 : i32
        %broadcast_in_dim3A_1412 = vector.broadcast %broadcast_in_dim3A_1411 : i32 to vector<16x1xi32>
        %gather3A_1413 = vector.shape_cast %broadcast_in_dim3A_1412 : vector<16x1xi32> to vector<16xi32>
        %gather3A_1414 = tpu.dynamic_gather %get3A_160[%gather3A_1413] in [0] : vector<16xi32>, vector<16xi32> -> vector<16xi32>
        %broadcast_in_dim3A_1415 = arith.constant 19 : i32
        %broadcast_in_dim3A_1416 = vector.broadcast %broadcast_in_dim3A_1415 : i32 to vector<16xi32>
        %shift_right_logical3A_1417 = arith.shrui %gather3A_1414, %broadcast_in_dim3A_1416 : vector<16xi32>
        %add3A_1418 = arith.constant 25 : i32
        %add3A_1419 = arith.addi %mul3A_142, %add3A_1418 : i32
        %get3A_1420 = arith.index_cast %add3A_1419 : i32 to index
        %get3A_1421 = arith.constant 0 : index
        %get3A_1422 = tpu.vector_load %arg11[%get3A_1420, %get3A_1421] {strides = array<i32>} : memref<416x128xf32, #tpu.memory_space<vmem>>, vector<1x16xf32>,
        %get3A_1423 = vector.shape_cast %get3A_1422 : vector<1x16xf32> to vector<16xf32>
        %add3A_1424 = arith.constant 25 : i32
        %add3A_1425 = arith.addi %mul3A_142, %add3A_1424 : i32
        %get3A_1426 = arith.index_cast %add3A_1425 : i32 to index
        %get3A_1427 = arith.constant 64 : index
        %get3A_1428 = tpu.vector_load %arg11[%get3A_1426, %get3A_1427] {strides = array<i32>} : memref<416x128xf32, #tpu.memory_space<vmem>>, vector<1x16xf32>,
        %get3A_1429 = vector.shape_cast %get3A_1428 : vector<1x16xf32> to vector<16xf32>
        %add3A_1430 = arith.constant 25 : i32
        %add3A_1431 = arith.addi %mul3A_142, %add3A_1430 : i32
        %get3A_1432 = arith.index_cast %add3A_1431 : i32 to index
        %get3A_1433 = arith.constant 16 : index
        %get3A_1434 = tpu.vector_load %arg11[%get3A_1432, %get3A_1433] {strides = array<i32>} : memref<416x128xf32, #tpu.memory_space<vmem>>, vector<1x16xf32>,
        %get3A_1435 = vector.shape_cast %get3A_1434 : vector<1x16xf32> to vector<16xf32>
        %add3A_1436 = arith.constant 25 : i32
        %add3A_1437 = arith.addi %mul3A_142, %add3A_1436 : i32
        %get3A_1438 = arith.index_cast %add3A_1437 : i32 to index
        %get3A_1439 = arith.constant 80 : index
        %get3A_1440 = tpu.vector_load %arg11[%get3A_1438, %get3A_1439] {strides = array<i32>} : memref<416x128xf32, #tpu.memory_space<vmem>>, vector<1x16xf32>,
        %get3A_1441 = vector.shape_cast %get3A_1440 : vector<1x16xf32> to vector<16xf32>
        %convert_element_type3A_1442 = arith.sitofp %shift_right_logical3A_1417 : vector<16xi32> to vector<16xf32>
        %sub3A_1443 = arith.subf %get3A_1429, %get3A_1423 : vector<16xf32>
        %mul3A_1444 = arith.mulf %sub3A_1443, %convert_element_type3A_1442 : vector<16xf32>
        %add3A_1445 = arith.addf %get3A_1423, %mul3A_1444 : vector<16xf32>
        %sub3A_1446 = arith.subf %get3A_1441, %get3A_1435 : vector<16xf32>
        %mul3A_1447 = arith.mulf %sub3A_1446, %convert_element_type3A_1442 : vector<16xf32>
        %add3A_1448 = arith.addf %get3A_1435, %mul3A_1447 : vector<16xf32>
        %mul3A_1449 = arith.mulf %add3A_1445, %gather3A_1410 : vector<16xf32>
        %mul3A_1450 = arith.mulf %add3A_1448, %gather3A_1410 : vector<16xf32>
        %add3A_1451 = arith.addf %add3A_1401, %mul3A_1449 : vector<16xf32>
        %add3A_1452 = arith.addf %add3A_1402, %mul3A_1450 : vector<16xf32>
        %mul3A_1453 = arith.mulf %mul3A_1449, %mul3A_1449 : vector<16xf32>
        %add3A_1454 = arith.addf %add3A_1404, %mul3A_1453 : vector<16xf32>
        %mul3A_1455 = arith.mulf %mul3A_1450, %mul3A_1450 : vector<16xf32>
        %add3A_1456 = arith.addf %add3A_1406, %mul3A_1455 : vector<16xf32>
        %get3A_1457 = arith.index_cast %mul3A_142 : i32 to index
        %get3A_1458 = tpu.vector_load %arg12[%get3A_1457] {strides = array<i32>} : memref<432xf32, #tpu.memory_space<vmem>>, vector<16xf32>,
        %get3A_1459 = vector.shape_cast %get3A_1458 : vector<16xf32> to vector<16xf32>
        %mul3A_1460 = arith.mulf %get3A_1459, %get3A_147 : vector<16xf32>
        %add3A_1461 = arith.constant 16 : i32
        %add3A_1462 = arith.addi %mul3A_142, %add3A_1461 : i32
        %get3A_1463 = arith.index_cast %add3A_1462 : i32 to index
        %get3A_1464 = tpu.vector_load %arg12[%get3A_1463] {strides = array<i32>} : memref<432xf32, #tpu.memory_space<vmem>>, vector<16xf32>,
        %get3A_1465 = vector.shape_cast %get3A_1464 : vector<16xf32> to vector<16xf32>
        %mul3A_1466 = arith.mulf %get3A_1465, %get3A_152 : vector<16xf32>
        %mul3A_1467 = arith.mulf %add3A_1451, %add3A_1451 : vector<16xf32>
        %sub3A_1468 = arith.subf %mul3A_1467, %add3A_1454 : vector<16xf32>
        %mul3A_1469 = arith.constant 5.000000e-01 : f32
        %mul3A_1470 = vector.broadcast %mul3A_1469 : f32 to vector<16xf32>
        %mul3A_1471 = arith.mulf %mul3A_1470, %sub3A_1468 : vector<16xf32>
        %add3A_1472 = arith.addf %mul3A_1460, %mul3A_1471 : vector<16xf32>
        %add3A_1473 = arith.addf %add3A_1472, %get3A_4 : vector<16xf32>
        %mul3A_1474 = arith.mulf %add3A_1452, %add3A_1452 : vector<16xf32>
        %sub3A_1475 = arith.subf %mul3A_1474, %add3A_1456 : vector<16xf32>
        %mul3A_1476 = arith.constant 5.000000e-01 : f32
        %mul3A_1477 = vector.broadcast %mul3A_1476 : f32 to vector<16xf32>
        %mul3A_1478 = arith.mulf %mul3A_1477, %sub3A_1475 : vector<16xf32>
        %add3A_1479 = arith.addf %mul3A_1466, %mul3A_1478 : vector<16xf32>
        %add3A_1480 = arith.addf %add3A_1479, %get3A_4 : vector<16xf32>
        %swap3A = arith.index_cast %scan3A_140 : i32 to index
        %swap3A_1481 = arith.constant 0 : index
        %swap3A_1482 = tpu.vector_load %arg13[%swap3A, %swap3A_1481] {strides = array<i32>} : memref<16x32xf32, #tpu.memory_space<vmem>>, vector<1x16xf32>,
        %swap3A_1483 = vector.shape_cast %swap3A_1482 : vector<1x16xf32> to vector<16xf32>
        %swap3A_1484 = vector.shape_cast %add3A_1473 : vector<16xf32> to vector<1x16xf32>
        tpu.vector_store %arg13[%swap3A, %swap3A_1481], %swap3A_1484 {strides = array<i32>} : memref<16x32xf32, #tpu.memory_space<vmem>>, vector<1x16xf32>,
        %swap3A_1485 = arith.index_cast %scan3A_140 : i32 to index
        %swap3A_1486 = arith.constant 16 : index
        %swap3A_1487 = tpu.vector_load %arg13[%swap3A_1485, %swap3A_1486] {strides = array<i32>} : memref<16x32xf32, #tpu.memory_space<vmem>>, vector<1x16xf32>,
        %swap3A_1488 = vector.shape_cast %swap3A_1487 : vector<1x16xf32> to vector<16xf32>
        %swap3A_1489 = vector.shape_cast %add3A_1480 : vector<16xf32> to vector<1x16xf32>
        tpu.vector_store %arg13[%swap3A_1485, %swap3A_1486], %swap3A_1489 {strides = array<i32>} : memref<16x32xf32, #tpu.memory_space<vmem>>, vector<1x16xf32>,
      }
      %scan3A_139 = arith.constant 16 : i32
      "tpu.region"() ({
        %run_scoped3A = tpu.sem_alloc : memref<!tpu.dma_semaphore, #tpu.memory_space<semaphore_mem>>
        %dma_start3A_140 = arith.constant 0 : i32
        %dma_start3A_141 = tpu.memref_slice %arg7[%add3A_23, %dma_start3A_140] : memref<16384x32xf32, #tpu.memory_space<hbm>> -> memref<16x32xf32, #tpu.memory_space<hbm>>
        %dma_start3A_142 = arith.constant 0 : i32
        %dma_start3A_143 = tpu.memref_slice %arg7[%add3A_23, %dma_start3A_142] : memref<16384x32xf32, #tpu.memory_space<hbm>> -> memref<16x32xf32, #tpu.memory_space<hbm>>
        tpu.enqueue_dma source(%arg13 : memref<16x32xf32, #tpu.memory_space<vmem>>) target(%dma_start3A_143 : memref<16x32xf32, #tpu.memory_space<hbm>>) target_semaphore(%run_scoped3A : memref<!tpu.dma_semaphore, #tpu.memory_space<semaphore_mem>>)
        %dma_wait3A_144 = arith.constant 0 : i32
        %dma_wait3A_145 = tpu.memref_slice %arg7[%add3A_23, %dma_wait3A_144] : memref<16384x32xf32, #tpu.memory_space<hbm>> -> memref<16x32xf32, #tpu.memory_space<hbm>>
        %dma_wait3A_146 = arith.constant 0 : i32
        %dma_wait3A_147 = tpu.memref_slice %arg7[%add3A_23, %dma_wait3A_146] : memref<16384x32xf32, #tpu.memory_space<hbm>> -> memref<16x32xf32, #tpu.memory_space<hbm>>
        tpu.wait_dma2 semaphore(%run_scoped3A : memref<!tpu.dma_semaphore, #tpu.memory_space<semaphore_mem>>) src(%arg13 : memref<16x32xf32, #tpu.memory_space<vmem>>) dst(%dma_wait3A_147 : memref<16x32xf32, #tpu.memory_space<hbm>>)
        tpu.yield
      }) : () -> ()
    }
    %scan3A_15 = arith.constant 32 : i32
    return
  }
}

module attributes {stable_mosaic.version = 14 : i64} {
  func.func @_prep_kernel(%arg0: i32, %arg1: memref<26x8192xf32, #tpu.memory_space<vmem>>, %arg2: memref<26x8192xf32, #tpu.memory_space<vmem>>, %arg3: memref<8192x128xf32, #tpu.memory_space<vmem>>) attributes {dimension_semantics = [#tpu.dimension_semantics<arbitrary>], iteration_bounds = array<i64: 64>, scalar_prefetch = 0 : i64, scratch_operands = 0 : i64, tpu.core_type = #tpu.core_type<tc>, window_params = [{transform_indices = @transform_0, window_bounds = array<i64: 26, 8192>}, {transform_indices = @transform_1, window_bounds = array<i64: 26, 8192>}, {transform_indices = @transform_2, window_bounds = array<i64: 8192, 128>}]} {
    %get3A = arith.constant 0 : index
    %get3A_0 = arith.constant 0 : index
    %get3A_1 = vector.load %arg1[%get3A, %get3A_0] : memref<26x8192xf32, #tpu.memory_space<vmem>>, vector<26x8192xf32>
    %transpose3A = tpu.transpose %get3A_1, [1, 0] : vector<26x8192xf32> -> vector<8192x26xf32>
    %swap3A = arith.constant 0 : index
    %swap3A_2 = arith.constant 0 : index
    %swap3A_3 = vector.load %arg3[%swap3A, %swap3A_2] : memref<8192x128xf32, #tpu.memory_space<vmem>>, vector<8192x26xf32>
    tpu.vector_store %arg3[%swap3A, %swap3A_2], %transpose3A {strides = array<i32>} : memref<8192x128xf32, #tpu.memory_space<vmem>>, vector<8192x26xf32>,
    %get3A_4 = arith.constant 0 : index
    %get3A_5 = arith.constant 0 : index
    %get3A_6 = vector.load %arg2[%get3A_4, %get3A_5] : memref<26x8192xf32, #tpu.memory_space<vmem>>, vector<26x8192xf32>
    %iota3A = tpu.iota {dimensions = array<i32: 1>} : vector<26x8192xi32>
    %mul3A = arith.constant 8192 : i32
    %mul3A_7 = arith.muli %arg0, %mul3A : i32
    %sub3A = arith.constant 475712 : i32
    %sub3A_8 = arith.subi %sub3A, %mul3A_7 : i32
    %lt3A = vector.broadcast %sub3A_8 : i32 to vector<26x8192xi32>
    %lt3A_9 = arith.cmpi slt, %iota3A, %lt3A : vector<26x8192xi32>
    %jit3A = arith.constant 0.000000e+00 : f32
    %broadcast_in_dim3A = vector.broadcast %jit3A : f32 to vector<26x8192xf32>
    %select_n3A = arith.select %lt3A_9, %get3A_6, %broadcast_in_dim3A : vector<26x8192xi1>, vector<26x8192xf32>
    %transpose3A_10 = tpu.transpose %select_n3A, [1, 0] : vector<26x8192xf32> -> vector<8192x26xf32>
    %swap3A_11 = arith.constant 0 : index
    %swap3A_12 = arith.constant 64 : index
    %swap3A_13 = vector.load %arg3[%swap3A_11, %swap3A_12] : memref<8192x128xf32, #tpu.memory_space<vmem>>, vector<8192x26xf32>
    tpu.vector_store %arg3[%swap3A_11, %swap3A_12], %transpose3A_10 {strides = array<i32>} : memref<8192x128xf32, #tpu.memory_space<vmem>>, vector<8192x26xf32>,
    return
  }
  func.func @transform_0(%arg0: i32) -> (i32, i32) {
    %add3A = arith.constant 0 : i32
    %add3A_0 = arith.addi %add3A, %arg0 : i32
    %min3A = arith.constant 122 : i32
    %min3A_1 = arith.minsi %add3A_0, %min3A : i32
    %c0_i32 = arith.constant 0 : i32
    %c0_i32_2 = arith.constant 0 : i32
    return %c0_i32, %min3A_1 : i32, i32
  }
  func.func @transform_1(%arg0: i32) -> (i32, i32) {
    %add3A = arith.constant 64 : i32
    %add3A_0 = arith.addi %add3A, %arg0 : i32
    %min3A = arith.constant 122 : i32
    %min3A_1 = arith.minsi %add3A_0, %min3A : i32
    %c0_i32 = arith.constant 0 : i32
    %c0_i32_2 = arith.constant 0 : i32
    return %c0_i32, %min3A_1 : i32, i32
  }
  func.func @transform_2(%arg0: i32) -> (i32, i32) {
    %c0_i32 = arith.constant 0 : i32
    %c0_i32_0 = arith.constant 0 : i32
    return %arg0, %c0_i32 : i32, i32
  }
}

</mosaic_0001>

<sc_bundles>
// kernel: _fm.4.cloned.1.call-start
scs
__scs_entry_jumppad:
0x0: {  	(pc) =	sbr.rel $0x88, $3  }
0x1: {  	(tag) =	ssettag $0x0;
	lr =	simm.s32 $0x1  }
0x2: {  	[smem:$0x3F9C] =	sst lr;
	_ =	strace $0xD0000000  }
0x3: {  	_ = 	snop  }
0x4: {  	_ = 	snop  }
0x5: {  	_ = 	snop  }
0x6: {  	_ = 	snop  }
0x7: {  	_ = 	snop  }
__scs_overlays_trampoline_lowered:
0x8: {  	[smem:$0x3FAB] =	sst s0  }
0x9: {  	[smem:$0x3FAC] =	sst s1  }
0xa: {  	[smem:$0x3FAD] =	sst s2  }
0xb: {  	[smem:$0x3FAE] =	sst s3  }
0xc: {  	[smem:$0x3FAF] =	sst s4  }
0xd: {  	[smem:$0x3FB0] =	sst s5  }
0xe: {  	[smem:$0x3FB1] =	sst s6  }
0xf: {  	[smem:$0x3FB2] =	sst s7  }
0x10: {  	[smem:$0x3FB3] =	sst s8  }
0x11: {  	[smem:$0x3FB4] =	sst s9;
	s0 =	simm.s32 @!p0 $0x0  }
0x12: {  	s1 =	sld [smem:$0x3F9A];
	s0 =	simm.s32 @p0 $0x1  }
0x13: {  	[smem:$0x3FB5] =	sst s0;
	s0 =	simm.s32 @!p1 $0x0  }
0x14: {  	s2 =	sld [smem:$0x3F99];
	s0 =	simm.s32 @p1 $0x1  }
0x15: {  	[smem:$0x3FB6] =	sst s0;
	s0 =	simm.s32 @!p2 $0x0  }
0x16: {  	s3 =	sld [smem:$0x3FDB];
	s0 =	simm.s32 @p2 $0x1  }
0x17: {  	s4 =	simm.s32 $0x1BF5;
	[smem:$0x3FB8] =	sst s0  }
0x18: {  	s0 =	sld [smem:$0x3F9B];
	_ =	swait.ge [sflag:s4], $0x0  }
0x19: {  	s7 =	sld [smem:$0x3F9C]  }
0x1a: {  	s8 =	sadd.s32 $0xFFFFE003, lr  }
0x1b: {  	s9 =	sadd.s32 $0xFFFFFEF7, lr;
	s5 =	simm.s32 $0xFFFFFFFF;
	p2 =	slt.u32 s8, $0xFFFFF086  }
0x1c: {  	p1 =	slt.u32 s9, $0xF7A;
	s5 =	simm.s32 @!p2 $0x0  }
0x1d: {  	s5 =	simm.s32 @p1 $0x1;
	p0 =	seq.s32 s7, s2  }
0x1e: {  	s7 =	smul.u32 @!p0 $0xF7A, s2;
	p2 =	seq.s32 @!p0 s5, $0x0  }
0x1f: {  	s9 =	smul.u32 $0xF7A, s1;
	s8 =	simm.s32 @!p0 $0x1BF5;
	p2 =	por !p2, p0  }
0x20: {  	[sflag:s8] =	ssyncset.s32 @!p0 $0xFFFFF086;
	s6 =	sadd.s32 @!p0 s3, s7;
	s7 =	simm.s32 @!p0 $0x108  }
0x21: {  	s3 =	sadd.s32 s3, s9;
	s6 =	sadd.s32 @!p0 $0x88, s6;
	s7 =	simm.s32 @p2 $0x1082  }
0x22: {  	[simem:s7], [sflag:s8] =	dma.local @!p0 [hbm:s6], $0xF7A  }
0x23: {  	s9 =	sor.u32 $0xD0000000, s2;
	s6 =	simm.s32 $0x108;
	_ =	swait.ge @!p0 [sflag:s8], $0x0  }
0x24: {  	s3 =	sadd.s32 $0x88, s3;
	s6 =	simm.s32 @!p1 $0x1082;
	[sflag:s4] =	ssyncset.s32 $0xFFFFF086  }
0x25: {  	[simem:s6], [sflag:s4] =	dma.local [hbm:s3], $0xF7A  }
0x26: {  	[smem:$0x3F9C] =	sst s1;
	(tag) =	ssettag s2;
	_ =	strace s9  }
0x27: {  	s1 =	sld [smem:$0x3FAC]  }
0x28: {  	s2 =	sld [smem:$0x3FAD]  }
0x29: {  	s4 =	sld [smem:$0x3FAF]  }
0x2a: {  	p0 =	seq.s32 s5, $0x0;
	s5 =	sld [smem:$0x3FB0]  }
0x2b: {  	s6 =	sld [smem:$0x3FB1]  }
0x2c: {  	s7 =	sld [smem:$0x3FB2]  }
0x2d: {  	s3 =	simm.s32 $0x108;
	s8 =	sld [smem:$0x3FB3]  }
0x2e: {  	s3 =	simm.s32 @!p0 $0x1082;
	s9 =	sld [smem:$0x3FB4]  }
0x2f: {  	lr =	sadd.s32 s0, s3;
	s0 =	sld [smem:$0x3FAB]  }
0x30: {  	s3 =	sld [smem:$0x3FAE]  }
0x31: {  	[smem:$0x3FB7] =	sst s10  }
0x32: {  	s10 =	sld [smem:$0x3FB5];
	_ =	sdelay $0x3  }
0x33: {  	p0 =	seq.s32 s10, $0x1;
	s10 =	sld [smem:$0x3FB7];
	_ =	sdelay $0x3  }
0x34: {  	[smem:$0x3FB7] =	sst s10  }
0x35: {  	s10 =	sld [smem:$0x3FB6];
	_ =	sdelay $0x3  }
0x36: {  	p1 =	seq.s32 s10, $0x1;
	s10 =	sld [smem:$0x3FB7];
	_ =	sdelay $0x3  }
0x37: {  	[smem:$0x3FB7] =	sst s10  }
0x38: {  	s10 =	sld [smem:$0x3FB8]  }
0x39: {  	_ = 	snop;
	(pc) =	sbr.ind lr, $3  }
0x3a: {  	_ = 	snop  }
0x3b: {  	_ = 	snop  }
0x3c: {  	p2 =	seq.s32 s10, $0x1;
	s10 =	sld [smem:$0x3FB7]  }
0x3d: {  	_ =	shalt  }
0x3e: {  	_ =	shalt  }
0x3f: {  	_ =	shalt  }
0x40: {  	_ =	shalt  }
0x41: {  	_ =	shalt  }
0x42: {  	_ =	shalt  }
0x43: {  	_ =	shalt  }
0x44: {  	_ =	shalt  }
0x45: {  	_ =	shalt  }
0x46: {  	_ =	shalt  }
0x47: {  	_ =	shalt  }
0x48: {  	_ =	shalt  }
0x49: {  	_ =	shalt  }
0x4a: {  	_ =	shalt  }
0x4b: {  	_ =	shalt  }
0x4c: {  	_ =	shalt  }
0x4d: {  	_ =	shalt  }
0x4e: {  	_ =	shalt  }
0x4f: {  	_ =	shalt  }
0x50: {  	_ =	shalt  }
0x51: {  	_ =	shalt  }
0x52: {  	_ =	shalt  }
0x53: {  	_ =	shalt  }
0x54: {  	_ =	shalt  }
0x55: {  	_ =	shalt  }
0x56: {  	_ =	shalt  }
0x57: {  	_ =	shalt  }
0x58: {  	_ =	shalt  }
0x59: {  	_ =	shalt  }
0x5a: {  	_ =	shalt  }
0x5b: {  	_ =	shalt  }
0x5c: {  	_ =	shalt  }
0x5d: {  	_ =	shalt  }
0x5e: {  	_ =	shalt  }
0x5f: {  	_ =	shalt  }
0x60: {  	_ =	shalt  }
0x61: {  	_ =	shalt  }
0x62: {  	_ =	shalt  }
0x63: {  	_ =	shalt  }
0x64: {  	_ =	shalt  }
0x65: {  	_ =	shalt  }
0x66: {  	_ =	shalt  }
0x67: {  	_ =	shalt  }
0x68: {  	_ =	shalt  }
0x69: {  	_ =	shalt  }
0x6a: {  	_ =	shalt  }
0x6b: {  	_ =	shalt  }
0x6c: {  	_ =	shalt  }
0x6d: {  	_ =	shalt  }
0x6e: {  	_ =	shalt  }
0x6f: {  	_ =	shalt  }
0x70: {  	_ =	shalt  }
0x71: {  	_ =	shalt  }
0x72: {  	_ =	shalt  }
0x73: {  	_ =	shalt  }
0x74: {  	_ =	shalt  }
0x75: {  	_ =	shalt  }
0x76: {  	_ =	shalt  }
0x77: {  	_ =	shalt  }
0x78: {  	_ =	shalt  }
0x79: {  	_ =	shalt  }
0x7a: {  	_ =	shalt  }
0x7b: {  	_ =	shalt  }
0x7c: {  	_ =	shalt  }
0x7d: {  	_ =	shalt  }
0x7e: {  	_ =	shalt  }
0x7f: {  	_ =	shalt  }
0x80: {  	_ =	shalt  }
0x81: {  	_ =	shalt  }
0x82: {  	_ =	shalt  }
0x83: {  	_ =	shalt  }
0x84: {  	_ =	shalt  }
0x85: {  	_ =	shalt  }
0x86: {  	_ =	shalt  }
0x87: {  	_ =	shalt  }
.Lfunc_end0:
.L_simem_size_0:
called_computation_lowered:
.L_overlay_start_0:
0x88: {  	s2 =	sld [smem:$0x3FD9]  }
0x89: {  	s3 =	sld [smem:$0x3FFE];
	_ =	sdelay $0x1  }
0x8a: {  	s1 =	srdreg.scid  }
0x8b: {  	s0 =	sand.u32 $0x1, s1  }
0x8c: {  	s17 =	sshll.u32 s0, $0xA;
	s2 =	sadd.s32 s3, s2  }
0x8d: {  	s2 =	sadd.s32 s2, s17  }
0x8e: {  	[smem:$0x3FC3] =	sst s2  }
0x8f: {  	_ = 	snop  }
0x90: {  	s2 =	sld [smem:$0x3FD0];
	(tm) =	ssettm $0x1  }
0x91: {  	s18 =	sld [smem:$0x3FFB];
	_ =	sdelay $0x3  }
0x92: {  	_ =	strace s18  }
0x93: {  	s3 =	sld [smem:$0x3FFC];
	_ =	sdelay $0x3  }
0x94: {  	_ =	strace s3  }
0x95: {  	s3 =	sld [smem:$0x3FFD];
	_ =	sdelay $0x3  }
0x96: {  	_ =	strace s3  }
0x97: {  	_ =	strace $0x8FFFFFFF  }
0x98: {  	s19 =	sld [smem:$0x3FDB];
	_ =	sdelay $0x1  }
0x99: {  	s4 =	simm.s32 $_scs_section_size  }
0x9a: {  	s5 =	simm.s32 $_size__tile_overlayer_lowered;
	s6 =	simm.s32 $_tile_overlayer_lowered  }
0x9b: {  	s22 =	simm.s32 $0x1BFF;
	s21 =	sshll.u32 s6, $0x1;
	s3 =	sadd.s32 s4, s19  }
0x9c: {  	s7 =	simm.s32 $0x0;
	s20 =	sshll.u32 s5, $0x1;
	s5 =	sadd.s32 s21, s3  }
0x9d: {  	[timem:s7], [sflag:s22] =	dma.local [hbm:s5], s20  }
0x9e: {  	_ =	swait.ge [sflag:s22], s20  }
0x9f: {  	s4 =	ssub.s32 $0x0, s20;
	[sflag:s22] =	ssyncset.done $0x0  }
0xa0: {  	[sflag:s22] =	ssyncadd.s32 s4;
	_ =	sdelay $0x1  }
0xa1: {  	s23 =	simm.s32 $0x1B8B  }
0xa2: {  	_ =	swait.ge [sflag:s23], $0x1  }
0xa3: {  	[sflag:s23] =	ssyncset.done $0x0  }
0xa4: {  	s25 =	simm.s32 $0x1B8E;
	s24 =	sld [smem:$0x3FFE];
	[sflag:s23] =	ssyncadd.s32 $0xFFFFFFFF  }
0xa5: {  	s26 =	simm.s32 $execute0_lowered;
	[smem:$0x3FD2] =	sst s25  }
0xa6: {  	s5 =	sshll.u32 s26, $0x1;
	_ =	strace $0x80000046;
	[dreg:$0x1] =	wrdreg $0xFFFFFFFF  }
0xa7: {  	s28 =	simm.s32 $_size_execute0_lowered;
	s3 =	sadd.s32 s3, s5;
	[dreg:$0x0] =	wrdreg $0x0  }
0xa8: {  	s5 =	sshll.u32 s28, $0x1;
	[dreg:$0x2] =	wrdreg s3  }
0xa9: {  	[dreg:$0x3] =	wrdreg s5  }
0xaa: {  	[dreg:$0x4] =	wrdreg $0xC0  }
0xab: {  	_ =	task [dreg:s7], $0x5FFFF  }
0xac: {  	[dreg:$0x1] =	wrdreg $0xFFFFFFFF  }
0xad: {  	[dreg:$0x0] =	wrdreg $0x60  }
0xae: {  	[dreg:$0x2] =	wrdreg s24  }
0xaf: {  	[dreg:$0x3] =	wrdreg s2  }
0xb0: {  	[dreg:$0x4] =	wrdreg $0x9  }
0xb1: {  	_ =	task.clear_ibuf [dreg:s7], $0x5FFFF;
	_ =	strace $0x90000046  }
0xb2: {  	s29 =	simm.s32 $0x9;
	_ =	strace $0x80000048  }
0xb3: {  	_ =	swait.ge [sflag:s29], $0x1  }
0xb4: {  	[sflag:s29] =	ssyncadd.s32 $0xFFFFFFFF  }
0xb5: {  	_ =	strace $0x90000048  }
0xb6: {  	_ =	sfence  }
0xb7: {  	s30 =	sld [smem:$0x0];
	_ =	sdelay $0x2  }
0xb8: {  	s31 =	sshll.u32 s1, $0xD;
	s1 =	sshrl.u32 s1, $0x2  }
0xb9: {  	s3 =	sand.u32 $0x4000, s31;
	s1 =	sadd.s32 s1, s30  }
0xba: {  	s0 =	sor.u32 s3, s0;
	s1 =	sshll.u32 s1, $0x11  }
0xbb: {  	s0 =	sor.u32 s1, s0  }
0xbc: {  	s0 =	sadd.s32 $0x8F2B, s0  }
0xbd: {  	[sflag:s0] =	ssyncadd.remote.s32 $0x1  }
0xbe: {  	_ =	sfence.sel $0xFFFF  }
0xbf: {  	[dreg:$0x0] =	wrdreg $0xFFFFFFFF;
	(pc) =	sbr.abs _section_cstart, $3  }
0xc0: {  	[dreg:$0x1] =	wrdreg $0xFFFFFFFF  }
0xc1: {  	_ =	task.clear_ibuf [dreg:s7], $0x2FFFF;
	_ =	strace $0x9FFFFFFF  }
0xc2: {  	(tm) =	ssettm $0x7FFFFFFF  }
0xc3: {  	_ =	shalt  }
tec
execute0_lowered:
.L_overlay_start_1:
0x0: {  	(tag) =	ssettag $0x1  }
0x1: {  	s0 =	rddreg [dreg:$0x0]  }
0x2: {  	s1 =	rddreg [dreg:$0x1]  }
0x3: {  	s3 =	srdreg.scid;
	s4 =	stileid.u32  }
0x4: {  	s2 =	simm.s32 $0x0;
	s11 =	simm.s32 $0x3;
	s12 =	simm.s32 $0x6880  }
0x5: {  	s13 =	simm.s32 $0x80;
	s14 =	simm.s32 $0x9D00;
	s15 =	simm.s32 $0x16D00  }
0x6: {  	s16 =	simm.s32 $0xDD00;
	s17 =	simm.s32 $0x16D80;
	s18 =	simm.s32 $0x11D00  }
0x7: {  	s19 =	simm.s32 $0x16E00;
	s20 =	simm.s32 $0x20;
	s21 =	simm.s32 $0x15D00  }
0x8: {  	s22 =	simm.s32 $0x16E80;
	s23 =	simm.s32 $0x1;
	s24 =	simm.s32 $0x2  }
0x9: {  	s25 =	simm.s32 $0x16F00;
	s26 =	simm.s32 $0x0;
	s5 =	sand.u32 $0x1, s3  }
0xa: {  	v0 =	vimm.s32 $0x0;
	s31 =	sshll.u32 s4, $0x1;
	[smem:$0x7FF] =	sst s2;
	s3 =	sadd.s32 $0xD600, s0  }
0xb: {  	v1 =	vimm.s32 $0x1;
	v2 =	vimm.s32 $0x2;
	v3 =	vimm.s32 $0x3;
	s4 =	sadd.s32 $0x80D600, s0;
	s6 =	sor.u32 s5, s31;
	s8 =	ssub.s32 $0x2, s5  }
0xc: {  	v4 =	vimm.s32 $0x4;
	v5 =	vimm.s32 $0x5;
	v6 =	vimm.s32 $0x6;
	_ =	strace $0x80000047;
	s7 =	smul.u32 $0x680, s6;
	s10 =	sshrl.u32 s8, $0x1  }
0xd: {  	v7 =	vimm.s32 $0x7;
	v8 =	vimm.s32 $0x8;
	v9 =	vimm.s32 $0x9;
	s5 =	sadd.s32 $0x82C000, s0;
	s6 =	sshll.u32 s6, $0xD;
	s10 =	ssub.s32 s8, s10  }
0xe: {  	v10 =	vimm.s32 $0xA;
	v11 =	vimm.s32 $0xB;
	v12 =	vimm.s32 $0xC;
	s9 =	sadd.s32 s7, s0;
	s0 =	sadd.s32 s6, s0;
	s6 =	sadd.s32 s1, s7  }
0xf: {  	v13 =	vimm.s32 $0xD;
	v14 =	vimm.s32 $0xE;
	v15 =	vimm.s32 $0xF;
	s7 =	sadd.s32 $0x600, s9;
	s8 =	sadd.s32 $0x82C200, s0;
	s9 =	smax.u32 s10, $0x1  }
.LBB2_1:
0x10: {  	s0 =	simm.s32 $0x17700  }
0x11: {  	[tilespmem:s0], [sflag:$0x3] =	stream.linear.gather [hbm4b:s5+s2], $0x80, $0x38;
	[tilespmem:$0x17780] =	vst v63  }
0x12: {  	_ =	swait.ge [sflag:s11], $0x80  }
0x13: {  	[sflag:s11] =	ssyncset.done $0x0  }
0x14: {  	[sflag:s11] =	ssyncadd.s32 $0xFFFFFF80  }
0x15: {  	v16 =	vld [tilespmem:$0x17700];
	[tilespmem:s2], [sflag:$0x3] =	stream.linear.gather [hbm4b:s6+s2], $0x3400, $0x38  }
0x16: {  	_ =	swait.ge [sflag:s11], $0x3400  }
0x17: {  	[sflag:s11] =	ssyncset.done $0x0  }
0x18: {  	[sflag:s11] =	ssyncadd.s32 $0xFFFFCC00  }
0x19: {  	[tilespmem:s12], [sflag:$0x3] =	stream.linear.gather [hbm4b:s7+s2], $0x3400, $0x38;
	[tilespmem:$0x17780] =	vst v63  }
0x1a: {  	_ =	swait.ge [sflag:s11], $0x3400  }
0x1b: {  	[sflag:s11] =	ssyncset.done $0x0  }
0x1c: {  	s0 =	simm.s32 $0x0;
	[sflag:s11] =	ssyncadd.s32 $0xFFFFCC00  }
0x1d: {  	s1 =	simm.s32 $0x40;
	v17 =	vld [tilespmem:s0+$0x0]  }
.LBB2_2:
0x1e: {  	p0 =	sne.s32 s1, $0xCFC0  }
.Ltmp0:
0x1f: {  	_ = 	snop;
	(pc) =	sbr.rel @p0 .LBB2_2-.Ltmp0, $3  }
0x20: {  	_ =	sdelay $0x1  }
0x21: {  	s10 =	sshra.s32 s1, $0x2;
	s1 =	sadd.s32 $0x40, s1;
	v18 =	vand.u32 $0x7FFFF, v17  }
0x22: {  	v17 =	vld [tilespmem:s10+$0x0];
	[tilespmem:s0+$0x3480] =	vst v18;
	s0 =	smov.u32 s10  }
0x23: {  	_ =	sdelay $0x3  }
0x24: {  	v17 =	vand.u32 $0x7FFFF, v17  }
0x25: {  	s28 =	simm.s32 $0x0;
	s29 =	simm.s32 $0x6880;
	s30 =	simm.s32 $0x0;
	[tilespmem:s0+$0x3480] =	vst v17  }
.LBB2_4:
0x26: {  	s0 =	smul.u32 $0x1A0, s30;
	_ =	sdelay $0x1  }
0x27: {  	s1 =	sadd.s32 $0x3480, s0  }
0x28: {  	[tilespmem:s14], [sflag:$0x1] =	stream.indirect.gather [hbm4b:s3+s13], $0x80, s1, s13, $0xb8;
	[tilespmem:$0x17780] =	vst v63  }
0x29: {  	_ = 	snop  }
0x2a: {  	[tilespmem:s15], [sflag:$0x2] =	stream.indirect.gather [hbm4b:s4+s13], $0x1, s0, s13, $0xb8;
	[tilespmem:$0x17780] =	vst v63  }
0x2b: {  	s10 =	sadd.s32 $0x3500, s0  }
0x2c: {  	[tilespmem:s16], [sflag:$0x1] =	stream.indirect.gather [hbm4b:s3+s13], $0x80, s10, s13, $0xb8;
	[tilespmem:$0x17780] =	vst v63  }
0x2d: {  	s10 =	sadd.s32 $0x80, s0  }
0x2e: {  	[tilespmem:s17], [sflag:$0x2] =	stream.indirect.gather [hbm4b:s4+s13], $0x1, s10, s13, $0xb8;
	[tilespmem:$0x17780] =	vst v63  }
0x2f: {  	s10 =	sadd.s32 $0x3580, s0  }
0x30: {  	[tilespmem:s18], [sflag:$0x1] =	stream.indirect.gather [hbm4b:s3+s13], $0x80, s10, s13, $0xb8;
	[tilespmem:$0x17780] =	vst v63  }
0x31: {  	s10 =	sadd.s32 $0x100, s0  }
0x32: {  	[tilespmem:s19], [sflag:$0x2] =	stream.indirect.gather [hbm4b:s4+s13], $0x1, s10, s13, $0xb8;
	[tilespmem:$0x17780] =	vst v63  }
0x33: {  	s10 =	sadd.s32 $0x3600, s0  }
0x34: {  	[tilespmem:s21], [sflag:$0x1] =	stream.indirect.gather [hbm4b:s3+s20], $0x80, s10, s20, $0xb8;
	[tilespmem:$0x17780] =	vst v63  }
0x35: {  	s0 =	sadd.s32 $0x180, s0  }
0x36: {  	[tilespmem:s22], [sflag:$0x2] =	stream.indirect.gather [hbm4b:s4+s20], $0x1, s0, s20, $0xb8;
	[tilespmem:$0x17780] =	vst v63  }
0x37: {  	_ =	swait.ge [sflag:s23], $0x4000  }
0x38: {  	[sflag:s23] =	ssyncset.done $0x0  }
0x39: {  	[sflag:s23] =	ssyncadd.s32 $0xFFFFC000  }
0x3a: {  	_ =	swait.ge [sflag:s24], $0x80  }
0x3b: {  	[sflag:s24] =	ssyncset.done $0x0  }
0x3c: {  	[sflag:s24] =	ssyncadd.s32 $0xFFFFFF80  }
0x3d: {  	_ =	swait.ge [sflag:s23], $0x4000  }
0x3e: {  	[sflag:s23] =	ssyncset.done $0x0  }
0x3f: {  	[sflag:s23] =	ssyncadd.s32 $0xFFFFC000  }
0x40: {  	_ =	swait.ge [sflag:s24], $0x80  }
0x41: {  	[sflag:s24] =	ssyncset.done $0x0  }
0x42: {  	[sflag:s24] =	ssyncadd.s32 $0xFFFFFF80  }
0x43: {  	_ =	swait.ge [sflag:s23], $0x4000  }
0x44: {  	[sflag:s23] =	ssyncset.done $0x0  }
0x45: {  	[sflag:s23] =	ssyncadd.s32 $0xFFFFC000  }
0x46: {  	_ =	swait.ge [sflag:s24], $0x80  }
0x47: {  	[sflag:s24] =	ssyncset.done $0x0  }
0x48: {  	[sflag:s24] =	ssyncadd.s32 $0xFFFFFF80  }
0x49: {  	_ =	swait.ge [sflag:s23], $0x1000  }
0x4a: {  	[sflag:s23] =	ssyncset.done $0x0  }
0x4b: {  	[sflag:s23] =	ssyncadd.s32 $0xFFFFF000  }
0x4c: {  	_ =	swait.ge [sflag:s24], $0x20  }
0x4d: {  	s31 =	simm.s32 $0x16F10;
	[sflag:s24] =	ssyncset.done $0x0  }
0x4e: {  	v17 =	vmov s29;
	v18 =	vmov s28;
	s1 =	simm.s32 $0x0;
	s0 =	simm.s32 $0xA380;
	[sflag:s24] =	ssyncadd.s32 $0xFFFFFFE0  }
.LBB2_5:
0x4f: {  	v21 =	vld [tilespmem:s0+$0xFFFFF980]  }
0x50: {  	v22 =	vld [tilespmem:s0+$0xFFFFF9C0]  }
0x51: {  	v23 =	vld [tilespmem:s0+$0xFFFFF990]  }
0x52: {  	v24 =	vld [tilespmem:s0+$0xFFFFF9D0]  }
0x53: {  	v26 =	vld [tilespmem:s0+$0xFFFFFA00]  }
0x54: {  	v27 =	vld [tilespmem:s0+$0xFFFFFA40]  }
0x55: {  	v28 =	vld [tilespmem:s0+$0xFFFFFA10]  }
0x56: {  	v29 =	vld [tilespmem:s0+$0xFFFFFA50]  }
0x57: {  	s10 =	sshra.s32 s1, $0x2;
	v45 =	vld [tilespmem:s0+$0xFFFFFA80]  }
0x58: {  	v20 =	vld.idx.msk [tilespmem:v18+s10+$0x0 ss:$0x1], $0xffff  }
0x59: {  	v47 =	vld [tilespmem:s0+$0xFFFFFAC0]  }
0x5a: {  	v19 =	vld.idx.msk [tilespmem:v17+s10+$0x0 ss:$0x1], $0xffff  }
0x5b: {  	v52 =	vld [tilespmem:s0+$0xFFFFFB00]  }
0x5c: {  	v34 =	vld [tilespmem:s0+$0xFFFFFB40]  }
0x5d: {  	v55 =	vld [tilespmem:s0+$0xFFFFFB80];
	v22 =	vsub.f32 v22, v21;
	v25 =	vperm.xlane v20, v0  }
0x5e: {  	v57 =	vld [tilespmem:s0+$0xFFFFFBC0];
	v24 =	vsub.f32 v24, v23;
	v46 =	vsub.f32 v27, v26;
	v30 =	vperm.xlane v20, v1  }
0x5f: {  	v43 =	vperm.xlane v19, v0;
	v49 =	vperm.xlane v20, v2;
	v25 =	vshrl.u32 v25, $0x13  }
0x60: {  	v29 =	vsub.f32 v29, v28;
	v33 =	vperm.xlane v19, v1;
	v25 =	vcvt.s32.f32 v25  }
0x61: {  	v31 =	vld [tilespmem:s0+$0xFFFFFA90];
	v27 =	vsub.f32 v47, v45;
	v54 =	vperm.xlane v20, v3;
	v36 =	vperm.xlane v19, v2  }
0x62: {  	v48 =	vld [tilespmem:s0+$0xFFFFFAD0];
	v56 =	vsub.f32 v34, v52;
	v63 =	vperm.xlane v20, v4;
	v22 =	vmul.f32 v25, v22  }
0x63: {  	v42 =	vsub.f32 v57, v55;
	v40 =	vperm.xlane v19, v3;
	v57 =	vperm.xlane v19, v5  }
0x64: {  	v44 =	vshrl.u32 v30, $0x13;
	v24 =	vmul.f32 v25, v24;
	v21 =	vadd.f32 v22, v21  }
0x65: {  	v53 =	vld [tilespmem:s0+$0xFFFFFB10];
	v37 =	vperm.xlane v19, v15;
	v51 =	vshrl.u32 v49, $0x13;
	v22 =	vcvt.s32.f32 v44  }
0x66: {  	v35 =	vld [tilespmem:s0+$0xFFFFFB50];
	v49 =	vperm.xlane v19, v4;
	v23 =	vadd.f32 v24, v23;
	v21 =	vmul.f32 v21, v43  }
0x67: {  	v41 =	vld [tilespmem:s0+$0xFFFFFC00];
	v25 =	vsub.f32 v48, v31;
	v24 =	vmul.f32 v22, v46;
	v22 =	vmul.f32 v22, v29  }
0x68: {  	v48 =	vperm.xlane v20, v5;
	v23 =	vmul.f32 v23, v43;
	v43 =	vld [tilespmem:s0+$0xFFFFFC40];
	v32 =	vadd.f32 $0.0e+00, v21  }
0x69: {  	v24 =	vadd.f32 v24, v26;
	v22 =	vadd.f32 v22, v28;
	v28 =	vcvt.s32.f32 v51  }
0x6a: {  	v60 =	vld [tilespmem:s0+$0xFFFFFB90];
	v50 =	vadd.f32 $0.0e+00, v23;
	v21 =	vmul.f32 v21, v21;
	v23 =	vmul.f32 v23, v23  }
0x6b: {  	v62 =	vld [tilespmem:s0+$0xFFFFFBD0];
	v59 =	vsub.f32 v35, v53;
	v24 =	vmul.f32 v24, v33;
	v22 =	vmul.f32 v22, v33  }
0x6c: {  	v27 =	vmul.f32 v28, v27;
	v25 =	vmul.f32 v28, v25;
	v28 =	vshrl.u32 v54, $0x13  }
0x6d: {  	v28 =	vcvt.s32.f32 v28;
	v34 =	vsub.f32 v43, v41;
	v43 =	vperm.xlane v19, v6  }
0x6e: {  	v47 =	vld [tilespmem:s0+$0xFFFFFC50];
	v32 =	vadd.f32 v24, v32;
	v26 =	vadd.f32 v22, v50;
	v24 =	vmul.f32 v24, v24  }
0x6f: {  	v51 =	vld [tilespmem:s0+$0xFFFFFCC0];
	v27 =	vadd.f32 v27, v45;
	v22 =	vmul.f32 v22, v22;
	v25 =	vadd.f32 v25, v31  }
0x70: {  	v44 =	vsub.f32 v62, v60;
	v45 =	vld [tilespmem:s0+$0xFFFFFC10];
	v31 =	vmul.f32 v28, v56;
	v56 =	vperm.xlane v20, v6  }
0x71: {  	v50 =	vld [tilespmem:s0+$0xFFFFFC80];
	v27 =	vmul.f32 v27, v36;
	v21 =	vadd.f32 v24, v21;
	v58 =	vmul.f32 v25, v36  }
0x72: {  	v22 =	vadd.f32 v22, v23;
	v25 =	vmul.f32 v28, v59;
	v28 =	vshrl.u32 v63, $0x13  }
0x73: {  	v29 =	vadd.f32 v31, v52;
	v28 =	vcvt.s32.f32 v28;
	v61 =	vadd.f32 v27, v32  }
0x74: {  	v26 =	vadd.f32 v58, v26;
	v27 =	vmul.f32 v27, v27;
	v24 =	vmul.f32 v58, v58  }
0x75: {  	v25 =	vadd.f32 v25, v53;
	v29 =	vmul.f32 v29, v40;
	v46 =	vmul.f32 v28, v42  }
0x76: {  	v52 =	vsub.f32 v47, v45;
	v59 =	vsub.f32 v51, v50;
	v42 =	vperm.xlane v20, v7  }
0x77: {  	v21 =	vadd.f32 v27, v21;
	v25 =	vmul.f32 v25, v40;
	v22 =	vadd.f32 v24, v22  }
0x78: {  	v53 =	vld [tilespmem:s0+$0xFFFFFC90];
	v27 =	vmul.f32 v28, v44;
	v28 =	vshrl.u32 v48, $0x13;
	v23 =	vadd.f32 v29, v61  }
0x79: {  	v44 =	vld [tilespmem:s0+$0xFFFFFD80];
	v29 =	vmul.f32 v29, v29;
	v24 =	vadd.f32 v46, v55;
	v28 =	vcvt.s32.f32 v28  }
0x7a: {  	v55 =	vld [tilespmem:s0+$0xFFFFFCD0];
	v26 =	vadd.f32 v25, v26;
	v25 =	vmul.f32 v25, v25;
	v27 =	vadd.f32 v27, v60  }
0x7b: {  	v46 =	vld [tilespmem:s0+$0xFFFFFDC0];
	v24 =	vmul.f32 v24, v49;
	v21 =	vadd.f32 v29, v21;
	v54 =	vmul.f32 v28, v34  }
0x7c: {  	v58 =	vld [tilespmem:s0+$0xFFFFFD00];
	v28 =	vmul.f32 v28, v52;
	v29 =	vshrl.u32 v56, $0x13;
	v52 =	vperm.xlane v20, v8  }
0x7d: {  	v60 =	vld [tilespmem:s0+$0xFFFFFD40];
	v27 =	vmul.f32 v27, v49;
	v22 =	vadd.f32 v25, v22;
	v29 =	vcvt.s32.f32 v29  }
0x7e: {  	v63 =	vld [tilespmem:s0+$0xFFFFFD10];
	v23 =	vadd.f32 v24, v23;
	v24 =	vmul.f32 v24, v24;
	v25 =	vadd.f32 v54, v41  }
0x7f: {  	v56 =	vld [tilespmem:s0+$0xFFFFFE40];
	v28 =	vadd.f32 v28, v45;
	v26 =	vadd.f32 v27, v26;
	v27 =	vmul.f32 v27, v27  }
0x80: {  	v41 =	vld [tilespmem:s0+$0xFFFFFD50];
	v62 =	vsub.f32 v55, v53;
	v40 =	vmul.f32 v29, v59;
	v55 =	vsub.f32 v46, v44  }
0x81: {  	v54 =	vld [tilespmem:s0+$0xFFFFFE00];
	v25 =	vmul.f32 v25, v57;
	v21 =	vadd.f32 v24, v21;
	v61 =	vmul.f32 v28, v57  }
0x82: {  	v45 =	vsub.f32 v60, v58;
	v22 =	vadd.f32 v27, v22;
	v28 =	vmul.f32 v29, v62  }
0x83: {  	v51 =	vld [tilespmem:s0+$0xFFFFFDD0];
	v27 =	vadd.f32 v40, v50;
	v29 =	vshrl.u32 v42, $0x13;
	v62 =	vperm.xlane v20, v9  }
0x84: {  	v49 =	vld [tilespmem:s0+$0xFFFFFD90];
	v23 =	vadd.f32 v25, v23;
	v26 =	vadd.f32 v61, v26;
	v25 =	vmul.f32 v25, v25  }
0x85: {  	v40 =	vld [tilespmem:s0+$0xFFFFFE80];
	v24 =	vmul.f32 v61, v61;
	v29 =	vcvt.s32.f32 v29;
	v28 =	vadd.f32 v28, v53  }
0x86: {  	v42 =	vld [tilespmem:s0+$0xFFFFFEC0];
	v27 =	vmul.f32 v27, v43;
	v48 =	vsub.f32 v41, v63;
	v41 =	vsub.f32 v56, v54  }
0x87: {  	v53 =	vperm.xlane v19, v7;
	v21 =	vadd.f32 v25, v21;
	v22 =	vadd.f32 v24, v22  }
0x88: {  	v50 =	vmul.f32 v29, v45;
	v47 =	vmul.f32 v28, v43;
	v23 =	vadd.f32 v27, v23  }
0x89: {  	v28 =	vmul.f32 v29, v48;
	v27 =	vmul.f32 v27, v27;
	v29 =	vshrl.u32 v52, $0x13  }
0x8a: {  	v59 =	vld [tilespmem:s0+$0xFFFFFE10];
	v48 =	vperm.xlane v20, v10;
	v24 =	vadd.f32 v50, v58;
	v58 =	vsub.f32 v51, v49  }
0x8b: {  	v61 =	vld [tilespmem:s0+$0xFFFFFE50];
	v29 =	vcvt.s32.f32 v29;
	v51 =	vsub.f32 v42, v40;
	v26 =	vadd.f32 v47, v26  }
0x8c: {  	v52 =	vld [tilespmem:s0+$0xFFFFFF40];
	v25 =	vmul.f32 v47, v47;
	v28 =	vadd.f32 v28, v63;
	v63 =	vperm.xlane v19, v8  }
0x8d: {  	v50 =	vld [tilespmem:s0+$0xFFFFFF00];
	v21 =	vadd.f32 v27, v21;
	v24 =	vmul.f32 v24, v53;
	v60 =	vmul.f32 v29, v55  }
0x8e: {  	v57 =	vmul.f32 v28, v53;
	v22 =	vadd.f32 v25, v22;
	v28 =	vmul.f32 v29, v58  }
0x8f: {  	v29 =	vshrl.u32 v62, $0x13;
	v58 =	vperm.xlane v20, v11;
	v23 =	vadd.f32 v24, v23  }
0x90: {  	v45 =	vld [tilespmem:s0+$0xFFFFFE90];
	v24 =	vmul.f32 v24, v24;
	v25 =	vadd.f32 v60, v44;
	v29 =	vcvt.s32.f32 v29  }
0x91: {  	v47 =	vld [tilespmem:s0+$0xFFFFFED0];
	v44 =	vsub.f32 v61, v59;
	v26 =	vadd.f32 v57, v26;
	v27 =	vmul.f32 v57, v57  }
0x92: {  	v55 =	vld [tilespmem:s0+$0xFFFFFF10];
	v28 =	vadd.f32 v28, v49;
	v49 =	vperm.xlane v19, v9;
	v61 =	vsub.f32 v52, v50  }
0x93: {  	v62 =	vld [tilespmem:s0+$0xFFFFFFC0];
	v25 =	vmul.f32 v25, v63;
	v21 =	vadd.f32 v24, v21;
	v46 =	vmul.f32 v29, v41  }
0x94: {  	v60 =	vld [tilespmem:s0+$0xFFFFFF80];
	v43 =	vmul.f32 v28, v63;
	v22 =	vadd.f32 v27, v22;
	v28 =	vmul.f32 v29, v44  }
0x95: {  	v57 =	vld [tilespmem:s0+$0xFFFFFF50];
	v29 =	vshrl.u32 v48, $0x13;
	v44 =	vperm.xlane v19, v11;
	v23 =	vadd.f32 v25, v23  }
0x96: {  	v25 =	vmul.f32 v25, v25;
	v27 =	vadd.f32 v46, v54;
	v29 =	vcvt.s32.f32 v29  }
0x97: {  	v54 =	vsub.f32 v47, v45;
	v26 =	vadd.f32 v43, v26;
	v24 =	vmul.f32 v43, v43  }
0x98: {  	v28 =	vadd.f32 v28, v59;
	v59 =	vperm.xlane v19, v10;
	v43 =	vperm.xlane v20, v12  }
0x99: {  	v46 =	vsub.f32 v62, v60;
	v27 =	vmul.f32 v27, v49;
	v21 =	vadd.f32 v25, v21  }
0x9a: {  	v56 =	vmul.f32 v29, v51;
	v39 =	vsub.f32 v57, v55;
	v53 =	vmul.f32 v28, v49  }
0x9b: {  	v22 =	vadd.f32 v24, v22;
	v28 =	vmul.f32 v29, v54;
	v29 =	vshrl.u32 v58, $0x13  }
0x9c: {  	v54 =	vperm.xlane v19, v12;
	v23 =	vadd.f32 v27, v23;
	v27 =	vmul.f32 v27, v27  }
0x9d: {  	v42 =	vld [tilespmem:s0+$0xFFFFFFD0];
	v24 =	vadd.f32 v56, v40;
	v29 =	vcvt.s32.f32 v29;
	v26 =	vadd.f32 v53, v26  }
0x9e: {  	v47 =	vld [tilespmem:s0+$0x40];
	v25 =	vmul.f32 v53, v53;
	v28 =	vadd.f32 v28, v45;
	v53 =	vperm.xlane v20, v13  }
0x9f: {  	v40 =	vld [tilespmem:s0+$0xFFFFFF90];
	v24 =	vmul.f32 v24, v59;
	v21 =	vadd.f32 v27, v21;
	v41 =	vmul.f32 v29, v61  }
0xa0: {  	v45 =	vld [tilespmem:s0+$0x0];
	v63 =	vmul.f32 v28, v59;
	v22 =	vadd.f32 v25, v22;
	v28 =	vmul.f32 v29, v39  }
0xa1: {  	v29 =	vshrl.u32 v43, $0x13;
	v23 =	vadd.f32 v24, v23;
	v24 =	vmul.f32 v24, v24  }
0xa2: {  	v25 =	vadd.f32 v41, v50;
	v29 =	vcvt.s32.f32 v29;
	v26 =	vadd.f32 v63, v26  }
0xa3: {  	v52 =	vld [tilespmem:s0+$0x50];
	v27 =	vmul.f32 v63, v63;
	v28 =	vadd.f32 v28, v55;
	v63 =	vperm.xlane v20, v14  }
0xa4: {  	v62 =	vld [tilespmem:s0+$0xD0];
	v49 =	vsub.f32 v42, v40;
	v20 =	vperm.xlane v20, v15;
	v25 =	vmul.f32 v25, v44  }
0xa5: {  	v50 =	vld [tilespmem:s0+$0x10];
	v21 =	vadd.f32 v24, v21;
	v51 =	vmul.f32 v29, v46;
	v56 =	vsub.f32 v47, v45  }
0xa6: {  	v57 =	vld [tilespmem:s0+$0xC0];
	v48 =	vmul.f32 v28, v44;
	v22 =	vadd.f32 v27, v22;
	v28 =	vmul.f32 v29, v49  }
0xa7: {  	v55 =	vld [tilespmem:s0+$0x80];
	v29 =	vshrl.u32 v53, $0x13;
	v20 =	vshrl.u32 v20, $0x13;
	v23 =	vadd.f32 v25, v23  }
0xa8: {  	v43 =	vld [tilespmem:s0+$0x140];
	v25 =	vmul.f32 v25, v25;
	v27 =	vadd.f32 v51, v60;
	v29 =	vcvt.s32.f32 v29  }
0xa9: {  	v41 =	vld [tilespmem:s0+$0x100];
	v20 =	vcvt.s32.f32 v20;
	v26 =	vadd.f32 v48, v26;
	v24 =	vmul.f32 v48, v48  }
0xaa: {  	v49 =	vld [tilespmem:s0+$0x180];
	v28 =	vadd.f32 v28, v40;
	v59 =	vsub.f32 v52, v50;
	v40 =	vperm.xlane v19, v13  }
0xab: {  	v60 =	vld [tilespmem:s0+$0x90];
	v48 =	vperm.xlane v19, v14;
	v27 =	vmul.f32 v27, v54;
	v21 =	vadd.f32 v25, v21  }
0xac: {  	v51 =	vld [tilespmem:s0+$0x1C0];
	v61 =	vmul.f32 v29, v56;
	v42 =	vsub.f32 v57, v55;
	v58 =	vmul.f32 v28, v54  }
0xad: {  	v22 =	vadd.f32 v24, v22;
	v28 =	vmul.f32 v29, v59;
	v29 =	vshrl.u32 v63, $0x13  }
0xae: {  	v47 =	vld [tilespmem:s0+$0x150];
	v23 =	vadd.f32 v27, v23;
	v27 =	vmul.f32 v27, v27;
	v24 =	vadd.f32 v61, v45  }
0xaf: {  	v56 =	vld [tilespmem:s0+$0x1D0];
	v29 =	vcvt.s32.f32 v29;
	v26 =	vadd.f32 v58, v26;
	v28 =	vadd.f32 v28, v50  }
0xb0: {  	v45 =	vld [tilespmem:s0+$0x110];
	v25 =	vmul.f32 v58, v58;
	v44 =	vsub.f32 v62, v60;
	v50 =	vsub.f32 v43, v41  }
0xb1: {  	v54 =	vld [tilespmem:s0+$0x190];
	v35 =	vsub.f32 v51, v49;
	v24 =	vmul.f32 v24, v40;
	v27 =	vadd.f32 v27, v21  }
0xb2: {  	v46 =	vmul.f32 v29, v42;
	v28 =	vmul.f32 v28, v40;
	v22 =	vadd.f32 v25, v22  }
0xb3: {  	v21 =	vld.idx.msk [tilespmem:v18+s10+$0x10 ss:$0x1], $0xffff;
	v29 =	vmul.f32 v29, v44;
	v23 =	vadd.f32 v24, v23;
	v24 =	vmul.f32 v24, v24  }
0xb4: {  	v25 =	vadd.f32 v46, v55;
	v55 =	vmul.f32 v20, v50;
	v26 =	vadd.f32 v28, v26  }
0xb5: {  	v28 =	vmul.f32 v28, v28;
	v29 =	vadd.f32 v29, v60;
	v53 =	vsub.f32 v47, v45  }
0xb6: {  	v59 =	vld [tilespmem:s0+$0x200];
	v62 =	vsub.f32 v56, v54;
	v25 =	vmul.f32 v25, v48;
	v24 =	vadd.f32 v24, v27  }
0xb7: {  	v60 =	vld [tilespmem:s0+$0x240];
	v52 =	vmul.f32 v29, v48;
	v22 =	vadd.f32 v28, v22;
	v29 =	vmul.f32 v20, v53  }
0xb8: {  	v63 =	vld [tilespmem:s0+$0x210];
	v57 =	vperm.xlane v21, v0;
	v28 =	vadd.f32 v55, v41;
	v42 =	vperm.xlane v21, v1  }
0xb9: {  	v47 =	vld [tilespmem:s0+$0x2C0];
	v53 =	vperm.xlane v21, v2;
	v23 =	vadd.f32 v25, v23;
	v25 =	vmul.f32 v25, v25  }
0xba: {  	v20 =	vld.idx.msk [tilespmem:v17+s10+$0x10 ss:$0x1], $0xffff;
	v26 =	vadd.f32 v52, v26;
	v27 =	vmul.f32 v52, v52;
	v29 =	vadd.f32 v29, v45  }
0xbb: {  	v41 =	vld [tilespmem:s0+$0x250];
	v58 =	vshrl.u32 v57, $0x13;
	v28 =	vmul.f32 v28, v37;
	v44 =	vshrl.u32 v42, $0x13  }
0xbc: {  	v55 =	vld [tilespmem:s0+$0x300];
	v31 =	vcvt.s32.f32 v58;
	v30 =	vcvt.s32.f32 v44;
	v46 =	vsub.f32 v60, v59  }
0xbd: {  	v45 =	vld [tilespmem:s0+$0x280];
	v61 =	vmul.f32 v29, v37;
	v23 =	vadd.f32 v28, v23;
	v28 =	vmul.f32 v28, v28  }
0xbe: {  	v57 =	vld [tilespmem:s0+$0x340];
	v24 =	vadd.f32 v25, v24;
	v40 =	vmul.f32 v31, v35;
	v29 =	vmul.f32 v31, v62  }
0xbf: {  	v22 =	vadd.f32 v27, v22;
	v43 =	vperm.xlane v20, v0;
	v51 =	vmul.f32 v30, v46  }
0xc0: {  	v50 =	vld [tilespmem:s0+$0x290];
	v38 =	vperm.xlane v20, v6;
	v26 =	vadd.f32 v61, v26;
	v24 =	vadd.f32 v28, v24  }
0xc1: {  	v52 =	vld [tilespmem:s0+$0x2D0];
	v25 =	vmul.f32 v61, v61;
	v27 =	vadd.f32 v40, v49;
	v29 =	vadd.f32 v29, v54  }
0xc2: {  	v49 =	vsub.f32 v41, v63;
	v54 =	vperm.xlane v20, v1;
	v56 =	vsub.f32 v47, v45  }
0xc3: {  	v40 =	vperm.xlane v20, v2;
	v42 =	vsub.f32 v57, v55;
	v22 =	vadd.f32 v25, v22  }
0xc4: {  	v25 =	vadd.f32 v51, v59;
	v27 =	vmul.f32 v27, v43;
	v48 =	vmul.f32 v29, v43  }
0xc5: {  	v60 =	vld [tilespmem:s0+$0x310];
	v29 =	vmul.f32 v30, v49;
	v30 =	vshrl.u32 v53, $0x13;
	v49 =	vperm.xlane v21, v4  }
0xc6: {  	v62 =	vld [tilespmem:s0+$0x350];
	v59 =	vsub.f32 v52, v50;
	v25 =	vmul.f32 v25, v54;
	v30 =	vcvt.s32.f32 v30  }
0xc7: {  	v41 =	vld [tilespmem:s0+$0x380];
	v23 =	vadd.f32 v27, v23;
	v27 =	vmul.f32 v27, v27;
	v29 =	vadd.f32 v29, v63  }
0xc8: {  	v43 =	vld [tilespmem:s0+$0x3C0];
	v26 =	vadd.f32 v48, v26;
	v28 =	vmul.f32 v48, v48;
	v63 =	vperm.xlane v21, v3  }
0xc9: {  	v46 =	vld [tilespmem:s0+$0x390];
	v61 =	vmul.f32 v30, v56;
	v24 =	vadd.f32 v27, v24;
	v58 =	vmul.f32 v29, v54  }
0xca: {  	v48 =	vld [tilespmem:s0+$0x3D0];
	v22 =	vadd.f32 v28, v22;
	v23 =	vadd.f32 v25, v23;
	v29 =	vmul.f32 v30, v59  }
0xcb: {  	v25 =	vmul.f32 v25, v25;
	v30 =	vshrl.u32 v63, $0x13;
	v59 =	vperm.xlane v20, v4  }
0xcc: {  	v28 =	vadd.f32 v61, v45;
	v30 =	vcvt.s32.f32 v30;
	v45 =	vsub.f32 v62, v60  }
0xcd: {  	v51 =	vsub.f32 v43, v41;
	v26 =	vadd.f32 v58, v26;
	v27 =	vmul.f32 v58, v58  }
0xce: {  	v29 =	vadd.f32 v29, v50;
	v24 =	vadd.f32 v25, v24;
	v50 =	vperm.xlane v20, v3  }
0xcf: {  	v28 =	vmul.f32 v28, v40;
	v47 =	vmul.f32 v30, v42;
	v54 =	vsub.f32 v48, v46  }
0xd0: {  	v57 =	vld [tilespmem:s0+$0x410];
	v48 =	vperm.xlane v20, v5;
	v44 =	vmul.f32 v29, v40;
	v22 =	vadd.f32 v27, v22  }
0xd1: {  	v52 =	vld [tilespmem:s0+$0x400];
	v29 =	vmul.f32 v30, v45;
	v30 =	vshrl.u32 v49, $0x13;
	v23 =	vadd.f32 v28, v23  }
0xd2: {  	v58 =	vld [tilespmem:s0+$0x450];
	v28 =	vmul.f32 v28, v28;
	v27 =	vadd.f32 v47, v55;
	v30 =	vcvt.s32.f32 v30  }
0xd3: {  	v43 =	vld [tilespmem:s0+$0x490];
	v47 =	vperm.xlane v21, v6;
	v25 =	vmul.f32 v44, v44;
	v29 =	vadd.f32 v29, v60  }
0xd4: {  	v55 =	vld [tilespmem:s0+$0x440];
	v26 =	vadd.f32 v44, v26;
	v60 =	vperm.xlane v21, v5;
	v27 =	vmul.f32 v27, v50  }
0xd5: {  	v45 =	vld [tilespmem:s0+$0x4D0];
	v24 =	vadd.f32 v28, v24;
	v56 =	vmul.f32 v30, v51;
	v53 =	vmul.f32 v29, v50  }
0xd6: {  	v22 =	vadd.f32 v25, v22;
	v29 =	vmul.f32 v30, v54;
	v62 =	vshrl.u32 v60, $0x13  }
0xd7: {  	v30 =	vsub.f32 v58, v57;
	v23 =	vadd.f32 v27, v23;
	v27 =	vmul.f32 v27, v27  }
0xd8: {  	v25 =	vadd.f32 v56, v41;
	v56 =	vperm.xlane v21, v7;
	v26 =	vadd.f32 v53, v26  }
0xd9: {  	v63 =	vld [tilespmem:s0+$0x480];
	v61 =	vadd.f32 v29, v46;
	v28 =	vmul.f32 v53, v53;
	v40 =	vsub.f32 v55, v52  }
0xda: {  	v50 =	vld [tilespmem:s0+$0x500];
	v29 =	vcvt.s32.f32 v62;
	v55 =	vsub.f32 v45, v43;
	v24 =	vadd.f32 v27, v24  }
0xdb: {  	v41 =	vld [tilespmem:s0+$0x4C0];
	v25 =	vmul.f32 v25, v59;
	v27 =	vmul.f32 v61, v59;
	v22 =	vadd.f32 v28, v22  }
0xdc: {  	v53 =	vld [tilespmem:s0+$0x540];
	v33 =	vmul.f32 v29, v40;
	v46 =	vmul.f32 v29, v30;
	v59 =	vshrl.u32 v56, $0x13  }
0xdd: {  	v56 =	vperm.xlane v20, v8;
	v42 =	vmul.f32 v25, v25;
	v23 =	vadd.f32 v25, v23  }
0xde: {  	v58 =	vld [tilespmem:s0+$0x550];
	v28 =	vcvt.s32.f32 v59;
	v44 =	vmul.f32 v27, v27;
	v49 =	vadd.f32 v33, v52  }
0xdf: {  	v60 =	vld [tilespmem:s0+$0x580];
	v26 =	vadd.f32 v27, v26;
	v51 =	vadd.f32 v46, v57;
	v52 =	vshrl.u32 v47, $0x13  }
0xe0: {  	v62 =	vld [tilespmem:s0+$0x5C0];
	v54 =	vsub.f32 v41, v63;
	v27 =	vcvt.s32.f32 v52;
	v30 =	vmul.f32 v49, v48  }
0xe1: {  	v57 =	vld [tilespmem:s0+$0x510];
	v29 =	vsub.f32 v53, v50;
	v25 =	vmul.f32 v51, v48;
	v48 =	vperm.xlane v21, v8  }
0xe2: {  	v41 =	vld [tilespmem:s0+$0x590];
	v24 =	vadd.f32 v42, v24;
	v21 =	vperm.xlane v21, v9;
	v32 =	vmul.f32 v27, v54  }
0xe3: {  	v46 =	vld [tilespmem:s0+$0x600];
	v22 =	vadd.f32 v44, v22;
	v27 =	vmul.f32 v27, v55;
	v29 =	vmul.f32 v28, v29  }
0xe4: {  	v44 =	vld [tilespmem:s0+$0x5D0];
	v23 =	vadd.f32 v30, v23;
	v30 =	vmul.f32 v30, v30;
	v26 =	vadd.f32 v25, v26  }
0xe5: {  	v49 =	vld [tilespmem:s0+$0x640];
	v25 =	vmul.f32 v25, v25;
	v21 =	vshrl.u32 v21, $0x13;
	v31 =	vadd.f32 v32, v63  }
0xe6: {  	v27 =	vadd.f32 v27, v43;
	v40 =	vsub.f32 v58, v57;
	v43 =	vperm.xlane v20, v7  }
0xe7: {  	v29 =	vadd.f32 v29, v50;
	v21 =	vcvt.s32.f32 v21;
	v24 =	vadd.f32 v30, v24  }
0xe8: {  	v52 =	vld [tilespmem:s0+$0x650];
	v22 =	vadd.f32 v25, v22;
	v61 =	vmul.f32 v31, v38;
	v63 =	vmul.f32 v27, v38  }
0xe9: {  	v50 =	vld [tilespmem:s0+$0x610];
	v27 =	vmul.f32 v28, v40;
	v47 =	vmul.f32 v29, v43;
	v31 =	vsub.f32 v62, v60  }
0xea: {  	v29 =	vshrl.u32 v48, $0x13;
	v53 =	vsub.f32 v44, v41;
	v54 =	vsub.f32 v49, v46  }
0xeb: {  	v29 =	vcvt.s32.f32 v29;
	v42 =	vmul.f32 v61, v61;
	v23 =	vadd.f32 v61, v23  }
0xec: {  	v45 =	vmul.f32 v63, v63;
	v25 =	vadd.f32 v63, v26;
	v51 =	vmul.f32 v47, v47  }
0xed: {  	v27 =	vadd.f32 v27, v57;
	v57 =	vperm.xlane v20, v9;
	v31 =	vmul.f32 v29, v31  }
0xee: {  	v26 =	vmul.f32 v29, v53;
	v55 =	vsub.f32 v52, v50;
	v24 =	vadd.f32 v42, v24  }
0xef: {  	v29 =	vmul.f32 v21, v54;
	v22 =	vadd.f32 v45, v22;
	v23 =	vadd.f32 v47, v23  }
0xf0: {  	v27 =	vmul.f32 v27, v43;
	v31 =	vadd.f32 v31, v60;
	v26 =	vadd.f32 v26, v41  }
0xf1: {  	v21 =	vmul.f32 v21, v55;
	v28 =	vadd.f32 v29, v46;
	v24 =	vadd.f32 v51, v24  }
0xf2: {  	v25 =	vadd.f32 v27, v25;
	v27 =	vmul.f32 v27, v27;
	v31 =	vmul.f32 v31, v56  }
0xf3: {  	v26 =	vmul.f32 v26, v56;
	v21 =	vadd.f32 v21, v50;
	v28 =	vmul.f32 v28, v57  }
0xf4: {  	v22 =	vadd.f32 v27, v22;
	v23 =	vadd.f32 v31, v23;
	v58 =	vmul.f32 v31, v31  }
0xf5: {  	v25 =	vadd.f32 v26, v25;
	v26 =	vmul.f32 v26, v26;
	v21 =	vmul.f32 v21, v57  }
0xf6: {  	v59 =	vmul.f32 v28, v28;
	v24 =	vadd.f32 v58, v24;
	v23 =	vadd.f32 v28, v23  }
0xf7: {  	v60 =	vld [tilespmem:s10+$0x16D00];
	v22 =	vadd.f32 v26, v22;
	v25 =	vadd.f32 v21, v25;
	v21 =	vmul.f32 v21, v21  }
0xf8: {  	v61 =	vld [tilespmem:s10+$0x16D10];
	v24 =	vadd.f32 v59, v24;
	v23 =	vmul.f32 v23, v23  }
0xf9: {  	v21 =	vadd.f32 v21, v22;
	v62 =	vmul.f32 v25, v25  }
0xfa: {  	v23 =	vsub.f32 v23, v24  }
0xfb: {  	v21 =	vsub.f32 v62, v21  }
0xfc: {  	v19 =	vmul.f32 v60, v19;
	v63 =	vmul.f32 $5.000000000e-01, v23  }
0xfd: {  	v20 =	vmul.f32 v61, v20;
	v21 =	vmul.f32 $5.000000000e-01, v21  }
0xfe: {  	p0 =	sne.s32 s1, $0x618;
	v19 =	vadd.f32 v63, v19  }
.Ltmp1:
0xff: {  	v20 =	vadd.f32 v21, v20;
	(pc) =	sbr.rel @p0 .LBB2_5-.Ltmp1, $4  }
0x100: {  	v19 =	vadd.f32 v19, v16  }
0x101: {  	v20 =	vadd.f32 v20, v16  }
0x102: {  	[tilespmem:s31+$0xFFFFFFF0] =	vst v19  }
0x103: {  	s1 =	sadd.s32 $0x68, s1;
	s0 =	sadd.s32 $0xD00, s0;
	[tilespmem:s31+$0x0] =	vst v20;
	s31 =	sadd.s32 $0x80, s31  }
0x104: {  	s0 =	sshll.u32 s30, $0x8;
	s30 =	sadd.s32 $0x1, s30  }
0x105: {  	p0 =	sne.s32 s30, $0x20  }
.Ltmp2:
0x106: {  	s0 =	sadd.s32 s0, s8;
	(pc) =	sbr.rel @p0 .LBB2_4-.Ltmp2, $4  }
0x107: {  	[hbm4b:s0+s2] =	stream.linear.scatter [tilespmem:s25], [sflag:$0x3], $0x800, $0x38;
	[tilespmem:$0x17780] =	vst v63  }
0x108: {  	_ =	swait.ge [sflag:s11], $0x800  }
0x109: {  	[sflag:s11] =	ssyncset.done $0x0  }
0x10a: {  	s28 =	sadd.s32 $0x1A0, s28;
	s29 =	sadd.s32 $0x1A0, s29;
	[sflag:s11] =	ssyncadd.s32 $0xFFFFF800  }
0x10b: {  	s26 =	sadd.s32 $0x1, s26  }
0x10c: {  	p0 =	sne.s32 s26, s9  }
.Ltmp3:
0x10d: {  	_ = 	snop;
	(pc) =	sbr.rel @p0 .LBB2_1-.Ltmp3, $1  }
0x10e: {  	_ =	sdelay $0x3  }
0x10f: {  	_ =	sfence.sel $0x180000  }
0x110: {  	[bflag:$0x0] =	sbarrier.arrive $0xFFFF  }
0x111: {  	_ =	strace $0x90000047  }
0x112: {  	s0 =	stileid.u32;
	[bflag:$0x2] =	sbarrier.arrive $0xFFFF  }
0x113: {  	p0 =	sne.s32 s0, $0x0;
	s0 =	rddreg [dreg:$0x2]  }
0x114: {  	s0 =	sadd.s32 @!p0 $0x100000, s0  }
0x115: {  	[sflag:s0] =	ssyncadd.tile.s32 @!p0 $0x1;
	_ =	shalt  }
.Lfunc_end2:
_tile_overlayer_lowered:
.L_overlay_start_2:
0x116: {  	(tag) =	ssettag $0x2  }
0x117: {  	s0 =	rddreg [dreg:$0x0];
	s2 =	stileid.u32  }
0x118: {  	s1 =	rddreg [dreg:$0x1];
	p0 =	sne.s32 s2, $0x0  }
0x119: {  	s3 =	rddreg [dreg:$0x2];
	[bflag:$0x3] =	sbarrier.arrive $0xFFFF;
	s2 =	simm.s32 @!p0 $0x1C03  }
0x11a: {  	[timem:s3], [sflag:s2] =	dma.local @!p0 [hbm:s0], s1  }
0x11b: {  	s0 =	simm.s32 @!p0 $0x3  }
0x11c: {  	_ =	swait.ge @!p0 [sflag:s0], s1  }
0x11d: {  	s1 =	ssub.s32 @!p0 $0x0, s1;
	[sflag:s0] =	ssyncset.done @!p0 $0x0  }
0x11e: {  	[sflag:s0] =	ssyncadd.s32 @!p0 s1  }
0x11f: {  	[bflag:$0x3] =	sbarrier.arrive $0xFFFF  }
0x120: {  	_ =	shalt  }

</sc_bundles>
